<compile_context>
chip_gen: v7x
topology: tpu7x:2x2x1
jax: 0.10.2.dev20260603
libtpu: 0.0.44.dev20260713+nightly
codegen_flags: <defaults>
</compile_context>

<pallas_src>
import functools

import jax
import jax.numpy as jnp
from jax import lax
from jax.experimental import pallas as pl
from jax.experimental.pallas import tpu as pltpu
from jax.experimental.pallas import tpu_sc as plsc

N = 10000
E = 320000
D = 128
G = 64

NC = 2
NS = 16
NW = NC * NS

CH = 128
N_PAD = 10240
ROWS_PER_TILE = N_PAD // NS
MAIN_CHUNKS = E // CH
MAIN_PER_W = 72
XTRA_PER_W = 8
XTRA_CHUNKS = NW * XTRA_PER_W
PHASES = 2
PH_CHUNKS = 40

@functools.lru_cache(maxsize=None)
def _get_sc_aggregate():
    mesh = plsc.VectorSubcoreMesh(
        core_axis_name="c", subcore_axis_name="s", num_cores=NC, num_subcores=NS
    )

    @functools.partial(
        pl.kernel,
        out_type=jax.ShapeDtypeStruct((NC, N_PAD, D), jnp.float32),
        mesh=mesh,
        scratch_types=[
            pltpu.VMEM((2, PH_CHUNKS, CH), jnp.int32),
            pltpu.VMEM((CH, D), jnp.float32),
            pltpu.VMEM((CH, D), jnp.float32),
            pltpu.VMEM_SHARED((N_PAD, D), jnp.float32),
            pltpu.SemaphoreType.DMA,
            pltpu.SemaphoreType.DMA,
            pltpu.SemaphoreType.DMA,
        ],
    )
    def _sc_aggregate(edge_hbm, xtra_hbm, node_hbm, out_hbm,
                      idx_v, rows0_v, rows1_v, agg_sh,
                      sem_i, sem_g0, sem_g1):
        c = lax.axis_index("c")
        s = lax.axis_index("s")
        wid = s * NC + c

        def load_idx(phase):
            base = wid * MAIN_PER_W
            if phase == 0:
                return (pltpu.async_copy(
                    edge_hbm.at[:, pl.ds(base, PH_CHUNKS), :],
                    idx_v.at[:, pl.ds(0, PH_CHUNKS), :], sem_i),)
            n_main = MAIN_PER_W - PH_CHUNKS
            cp0 = pltpu.async_copy(
                edge_hbm.at[:, pl.ds(base + PH_CHUNKS, n_main), :],
                idx_v.at[:, pl.ds(0, n_main), :], sem_i)
            cp1 = pltpu.async_copy(
                xtra_hbm.at[:, pl.ds(XTRA_PER_W * wid, XTRA_PER_W), :],
                idx_v.at[:, pl.ds(n_main, XTRA_PER_W), :], sem_i)
            return (cp0, cp1)

        idx_cp = load_idx(0)

        z = jnp.zeros((16,), jnp.float32)

        def zero_row(i, carry):
            for j in range(D // 16):
                rows0_v[i, pl.ds(j * 16, 16)] = z
            return carry

        lax.fori_loop(0, CH, zero_row, 0)
        for m in range(ROWS_PER_TILE // CH):
            pltpu.sync_copy(
                rows0_v, agg_sh.at[pl.ds(s * ROWS_PER_TILE + m * CH, CH), :]
            )
        plsc.subcore_barrier()

        bufs = ((rows0_v, sem_g0), (rows1_v, sem_g1))

        def issue_gather(j, buf, sem):
            pltpu.async_copy(node_hbm.at[idx_v.at[0, j]], buf, sem)

        for phase in range(PHASES):
            for cp in idx_cp:
                cp.wait()
            for b, (buf, sem) in enumerate(bufs):
                issue_gather(b, buf, sem)

            def group_body(g, carry):
                for b, (buf, sem) in enumerate(bufs):
                    j = g * 2 + b
                    pltpu.make_async_copy(node_hbm.at[idx_v.at[0, j]], buf, sem).wait()
                    pltpu.sync_copy(buf, agg_sh.at[idx_v.at[1, j]], add=True)
                    nxt = j + 2

                    @pl.when(nxt < PH_CHUNKS)
                    def _prefetch():
                        issue_gather(nxt, buf, sem)

                return carry

            lax.fori_loop(0, PH_CHUNKS // 2, group_body, 0)
            if phase + 1 < PHASES:
                idx_cp = load_idx(phase + 1)
        plsc.subcore_barrier()

        pltpu.sync_copy(
            agg_sh.at[pl.ds(s * ROWS_PER_TILE, ROWS_PER_TILE), :],
            out_hbm.at[c, pl.ds(s * ROWS_PER_TILE, ROWS_PER_TILE), :],
        )

    return _sc_aggregate


R = 2000
NBLK = N // R
SB = 8
SBR = R // SB


_dot = functools.partial(
    jnp.dot,
    preferred_element_type=jnp.float32,
    precision=lax.Precision.HIGHEST,
)


def _tc_self_body(node_ref, ws_ref, xs_ref):
    xs_ref[...] = _dot(node_ref[...], ws_ref[...])


_tc_self = pl.pallas_call(
    _tc_self_body,
    grid=(NBLK,),
    in_specs=[
        pl.BlockSpec((R, D), lambda i: (i, 0)),
        pl.BlockSpec((D, D), lambda i: (0, 0)),
    ],
    out_specs=pl.BlockSpec((R, D), lambda i: (i, 0)),
    out_shape=jax.ShapeDtypeStruct((N, D), jnp.float32),
)


def _tc_body(batch_ref, xs_ref, agg_ref, wn_ref,
             w1_ref, b1_ref, w2_ref, b2_ref, out_ref):
    i = pl.program_id(0)

    a = agg_ref[0]
    for p in range(1, NC):
        a = a + agg_ref[p]
    h = jnp.maximum(xs_ref[...] + _dot(a, wn_ref[...]), 0.0)
    h = jnp.maximum(_dot(h, w1_ref[...]) + b1_ref[...], 0.0)
    h = _dot(h, w2_ref[...]) + b2_ref[...]

    b = batch_ref[...]
    giota = lax.broadcasted_iota(jnp.int32, (G, 1), 0)
    acc = jnp.full((G, D), -jnp.inf, jnp.float32)
    for k in range(SB):
        bs = b[k * SBR:(k + 1) * SBR]
        hs = h[k * SBR:(k + 1) * SBR]
        g_lo = jnp.min(bs)
        g_hi = jnp.max(bs)

        def seg_body(g, acc, bs=bs, hs=hs):
            v = jnp.where(bs == g, hs, -jnp.inf)
            m = jnp.max(v, axis=0, keepdims=True)
            return jnp.where(giota == g, jnp.maximum(acc, m), acc)

        acc = lax.fori_loop(g_lo, g_hi + 1, seg_body, acc)

    @pl.when(i == 0)
    def _init():
        out_ref[...] = jnp.full((G, D), -jnp.inf, jnp.float32)

    out_ref[...] = jnp.maximum(out_ref[...], acc)


_tc_forward = pl.pallas_call(
    _tc_body,
    grid=(NBLK,),
    in_specs=[
        pl.BlockSpec((R, 1), lambda i: (i, 0)),
        pl.BlockSpec((R, D), lambda i: (i, 0)),
        pl.BlockSpec((NC, R, D), lambda i: (0, i, 0)),
        pl.BlockSpec((D, D), lambda i: (0, 0)),
        pl.BlockSpec((D, D), lambda i: (0, 0)),
        pl.BlockSpec((1, D), lambda i: (0, 0)),
        pl.BlockSpec((D, D), lambda i: (0, 0)),
        pl.BlockSpec((1, D), lambda i: (0, 0)),
    ],
    out_specs=pl.BlockSpec((G, D), lambda i: (0, 0)),
    out_shape=jax.ShapeDtypeStruct((G, D), jnp.float32),
)


@jax.jit
def kernel(node, edge_index, batch, W_self, W_neigh, W1, b1, W2, b2):
    ei3 = edge_index.astype(jnp.int32).reshape(2, MAIN_CHUNKS, CH)
    nleft = MAIN_CHUNKS - NW * MAIN_PER_W
    npad = XTRA_CHUNKS - nleft
    pad_i = jnp.arange(npad * CH, dtype=jnp.int32)
    pad2 = jnp.stack([
        (pad_i % N).reshape(npad, CH),
        N + (pad_i % (N_PAD - N)).reshape(npad, CH),
    ])
    xtra = jnp.concatenate([ei3[:, NW * MAIN_PER_W:, :], pad2], axis=1)

    agg = _get_sc_aggregate()(ei3, xtra, node)
    xs = _tc_self(node, W_self)

    return _tc_forward(
        batch.astype(jnp.int32).reshape(N, 1),
        xs,
        agg,
        W_neigh, W1,
        b1.reshape(1, D), W2, b2.reshape(1, D),
    )

# --- scband reference (transcript-rebuilt; emitter-appended) ---
"""Pipeline reference for scband-sub-forward-14482629722570 (READ-ONLY COPY).

The authoritative reference and input builder live on the scoring server;
editing this copy changes nothing except your own understanding.
"""

import jax, jax.numpy as jnp
import numpy as np

N = 10000   # nodes
E = 320000  # edges
D = 128     # feature dim
G = 64      # graphs in batch (segments for global_max_pool)


def setup_inputs(seed: int = 0) -> dict:
    key = jax.random.key(seed)
    ks = jax.random.split(key, 10)
    node = jax.random.normal(ks[0], (N, D), dtype=jnp.float32)
    edge_index = jax.random.randint(ks[1], (2, E), 0, N)
    batch = jnp.sort(jax.random.randint(ks[2], (N,), 0, G))
    s = 1.0 / np.sqrt(D)
    # gnn_layer params (GCN-style: self transform + neighbor-aggregate transform)
    W_self = jax.random.normal(ks[3], (D, D), dtype=jnp.float32) * s
    W_neigh = jax.random.normal(ks[4], (D, D), dtype=jnp.float32) * s
    # feed_forward params (2-layer MLP)
    W1 = jax.random.normal(ks[5], (D, D), dtype=jnp.float32) * s
    b1 = jnp.zeros((D,), dtype=jnp.float32)
    W2 = jax.random.normal(ks[6], (D, D), dtype=jnp.float32) * s
    b2 = jnp.zeros((D,), dtype=jnp.float32)
    return {"node": node, "edge_index": edge_index, "batch": batch,
            "W_self": W_self, "W_neigh": W_neigh,
            "W1": W1, "b1": b1, "W2": W2, "b2": b2}


def reference(node, edge_index, batch, W_self, W_neigh, W1, b1, W2, b2):
    src = edge_index[0]
    dst = edge_index[1]
    # --- gnn_layer: gather neighbor features along edges, scatter-add to dst ---
    msgs = jnp.take(node, src, axis=0)                      # gather [E, D]
    agg = jax.ops.segment_sum(msgs, dst, num_segments=N)     # scatter-add [N, D]
    h = jax.nn.relu(node @ W_self + agg @ W_neigh)           # (node, edge_index, batch) returned; node updated
    # --- feed_forward: MLP on node features ---
    h = jax.nn.relu(h @ W1 + b1) @ W2 + b2
    # --- global_max_pool: segment max over graph ids ---
    out = jax.ops.segment_max(h, batch, num_segments=G)      # [G, D]
    return out

if __name__ == "__main__":
    import jax
    _d = setup_inputs()
    print(jax.jit(kernel)(*tuple(_d.values())))

</pallas_src>

<mosaic_0001>
#map = affine_map<(d0, d1) -> (0, 0, 0)>
#map1 = affine_map<(d0, d1) -> (0, 0)>
module attributes {stable_mosaic.version = 14 : i64} {
  func.func @_sc_aggregate(%arg0: i32, %arg1: i32, %arg2: memref<2x2500x128xi32, #tpu.memory_space<hbm>>, %arg3: memref<2x256x128xi32, #tpu.memory_space<hbm>>, %arg4: memref<10000x128xf32, #tpu.memory_space<hbm>>, %arg5: memref<2x10240x128xf32, #tpu.memory_space<hbm>>, %arg6: memref<2x40x128xi32, #tpu.memory_space<vmem>>, %arg7: memref<128x128xf32, #tpu.memory_space<vmem>>, %arg8: memref<128x128xf32, #tpu.memory_space<vmem>>, %arg9: memref<10240x128xf32, #tpu.memory_space<vmem_shared>>, %arg10: memref<!tpu.dma_semaphore, #tpu.memory_space<semaphore_mem>>, %arg11: memref<!tpu.dma_semaphore, #tpu.memory_space<semaphore_mem>>, %arg12: memref<!tpu.dma_semaphore, #tpu.memory_space<semaphore_mem>>) attributes {dimension_semantics = [#tpu.dimension_semantics<core_parallel>, #tpu.dimension_semantics<subcore_parallel>], iteration_bounds = array<i64: 2, 16>, scalar_prefetch = 0 : i64, scratch_operands = 7 : i64, tpu.core_type = #tpu.core_type<sc_vector_subcore>, window_params = [{transform_indices = #map}, {transform_indices = #map}, {transform_indices = #map1}, {transform_indices = #map}]} {
    %mul3A = arith.constant 2 : i32
    %mul3A_0 = arith.muli %arg1, %mul3A : i32
    %add3A = arith.addi %mul3A_0, %arg0 : i32
    %mul3A_1 = arith.constant 72 : i32
    %mul3A_2 = arith.muli %add3A, %mul3A_1 : i32
    %dma_start3A = arith.constant 0 : i32
    %dma_start3A_3 = arith.constant 0 : i32
    %dma_start3A_4 = arith.constant 0 : i32
    %dma_start3A_5 = tpu.memref_slice %arg6[%dma_start3A, %dma_start3A_3, %dma_start3A_4] : memref<2x40x128xi32, #tpu.memory_space<vmem>> -> memref<2x40x128xi32, #tpu.memory_space<vmem>>
    %dma_start3A_6 = arith.constant 0 : i32
    %dma_start3A_7 = arith.constant 0 : i32
    %dma_start3A_8 = tpu.memref_slice %arg2[%dma_start3A_6, %mul3A_2, %dma_start3A_7] : memref<2x2500x128xi32, #tpu.memory_space<hbm>> -> memref<2x40x128xi32, #tpu.memory_space<hbm>>
    %dma_start3A_9 = arith.constant 0 : i32
    %dma_start3A_10 = arith.constant 0 : i32
    %dma_start3A_11 = arith.constant 0 : i32
    %dma_start3A_12 = tpu.memref_slice %arg6[%dma_start3A_9, %dma_start3A_10, %dma_start3A_11] : memref<2x40x128xi32, #tpu.memory_space<vmem>> -> memref<2x40x128xi32, #tpu.memory_space<vmem>>
    %dma_start3A_13 = arith.constant 0 : i32
    %dma_start3A_14 = arith.constant 0 : i32
    %dma_start3A_15 = tpu.memref_slice %arg2[%dma_start3A_13, %mul3A_2, %dma_start3A_14] : memref<2x2500x128xi32, #tpu.memory_space<hbm>> -> memref<2x40x128xi32, #tpu.memory_space<hbm>>
    tpu.enqueue_dma source(%dma_start3A_15 : memref<2x40x128xi32, #tpu.memory_space<hbm>>) target(%dma_start3A_12 : memref<2x40x128xi32, #tpu.memory_space<vmem>>) target_semaphore(%arg10 : memref<!tpu.dma_semaphore, #tpu.memory_space<semaphore_mem>>)
    %broadcast_in_dim3A = arith.constant 0.000000e+00 : f32
    %broadcast_in_dim3A_16 = vector.broadcast %broadcast_in_dim3A : f32 to vector<16xf32>
    %scan3A = arith.constant 0 : i32
    %scan3A_17 = arith.constant 0 : i32
    %scan3A_18 = arith.constant 128 : i32
    %scan3A_19 = arith.addi %scan3A_17, %scan3A_18 : i32
    %scan3A_20 = arith.constant 1 : i32
    scf.for %scan3A_166 = %scan3A_17 to %scan3A_19 step %scan3A_20  : i32 {
      %swap3A = arith.index_cast %scan3A_166 : i32 to index
      %swap3A_167 = arith.constant 0 : index
      %swap3A_168 = tpu.vector_load %arg7[%swap3A, %swap3A_167] {strides = array<i32>} : memref<128x128xf32, #tpu.memory_space<vmem>>, vector<1x16xf32>,
      %swap3A_169 = vector.shape_cast %swap3A_168 : vector<1x16xf32> to vector<16xf32>
      %swap3A_170 = vector.shape_cast %broadcast_in_dim3A_16 : vector<16xf32> to vector<1x16xf32>
      tpu.vector_store %arg7[%swap3A, %swap3A_167], %swap3A_170 {strides = array<i32>} : memref<128x128xf32, #tpu.memory_space<vmem>>, vector<1x16xf32>,
      %swap3A_171 = arith.index_cast %scan3A_166 : i32 to index
      %swap3A_172 = arith.constant 16 : index
      %swap3A_173 = tpu.vector_load %arg7[%swap3A_171, %swap3A_172] {strides = array<i32>} : memref<128x128xf32, #tpu.memory_space<vmem>>, vector<1x16xf32>,
      %swap3A_174 = vector.shape_cast %swap3A_173 : vector<1x16xf32> to vector<16xf32>
      %swap3A_175 = vector.shape_cast %broadcast_in_dim3A_16 : vector<16xf32> to vector<1x16xf32>
      tpu.vector_store %arg7[%swap3A_171, %swap3A_172], %swap3A_175 {strides = array<i32>} : memref<128x128xf32, #tpu.memory_space<vmem>>, vector<1x16xf32>,
      %swap3A_176 = arith.index_cast %scan3A_166 : i32 to index
      %swap3A_177 = arith.constant 32 : index
      %swap3A_178 = tpu.vector_load %arg7[%swap3A_176, %swap3A_177] {strides = array<i32>} : memref<128x128xf32, #tpu.memory_space<vmem>>, vector<1x16xf32>,
      %swap3A_179 = vector.shape_cast %swap3A_178 : vector<1x16xf32> to vector<16xf32>
      %swap3A_180 = vector.shape_cast %broadcast_in_dim3A_16 : vector<16xf32> to vector<1x16xf32>
      tpu.vector_store %arg7[%swap3A_176, %swap3A_177], %swap3A_180 {strides = array<i32>} : memref<128x128xf32, #tpu.memory_space<vmem>>, vector<1x16xf32>,
      %swap3A_181 = arith.index_cast %scan3A_166 : i32 to index
      %swap3A_182 = arith.constant 48 : index
      %swap3A_183 = tpu.vector_load %arg7[%swap3A_181, %swap3A_182] {strides = array<i32>} : memref<128x128xf32, #tpu.memory_space<vmem>>, vector<1x16xf32>,
      %swap3A_184 = vector.shape_cast %swap3A_183 : vector<1x16xf32> to vector<16xf32>
      %swap3A_185 = vector.shape_cast %broadcast_in_dim3A_16 : vector<16xf32> to vector<1x16xf32>
      tpu.vector_store %arg7[%swap3A_181, %swap3A_182], %swap3A_185 {strides = array<i32>} : memref<128x128xf32, #tpu.memory_space<vmem>>, vector<1x16xf32>,
      %swap3A_186 = arith.index_cast %scan3A_166 : i32 to index
      %swap3A_187 = arith.constant 64 : index
      %swap3A_188 = tpu.vector_load %arg7[%swap3A_186, %swap3A_187] {strides = array<i32>} : memref<128x128xf32, #tpu.memory_space<vmem>>, vector<1x16xf32>,
      %swap3A_189 = vector.shape_cast %swap3A_188 : vector<1x16xf32> to vector<16xf32>
      %swap3A_190 = vector.shape_cast %broadcast_in_dim3A_16 : vector<16xf32> to vector<1x16xf32>
      tpu.vector_store %arg7[%swap3A_186, %swap3A_187], %swap3A_190 {strides = array<i32>} : memref<128x128xf32, #tpu.memory_space<vmem>>, vector<1x16xf32>,
      %swap3A_191 = arith.index_cast %scan3A_166 : i32 to index
      %swap3A_192 = arith.constant 80 : index
      %swap3A_193 = tpu.vector_load %arg7[%swap3A_191, %swap3A_192] {strides = array<i32>} : memref<128x128xf32, #tpu.memory_space<vmem>>, vector<1x16xf32>,
      %swap3A_194 = vector.shape_cast %swap3A_193 : vector<1x16xf32> to vector<16xf32>
      %swap3A_195 = vector.shape_cast %broadcast_in_dim3A_16 : vector<16xf32> to vector<1x16xf32>
      tpu.vector_store %arg7[%swap3A_191, %swap3A_192], %swap3A_195 {strides = array<i32>} : memref<128x128xf32, #tpu.memory_space<vmem>>, vector<1x16xf32>,
      %swap3A_196 = arith.index_cast %scan3A_166 : i32 to index
      %swap3A_197 = arith.constant 96 : index
      %swap3A_198 = tpu.vector_load %arg7[%swap3A_196, %swap3A_197] {strides = array<i32>} : memref<128x128xf32, #tpu.memory_space<vmem>>, vector<1x16xf32>,
      %swap3A_199 = vector.shape_cast %swap3A_198 : vector<1x16xf32> to vector<16xf32>
      %swap3A_200 = vector.shape_cast %broadcast_in_dim3A_16 : vector<16xf32> to vector<1x16xf32>
      tpu.vector_store %arg7[%swap3A_196, %swap3A_197], %swap3A_200 {strides = array<i32>} : memref<128x128xf32, #tpu.memory_space<vmem>>, vector<1x16xf32>,
      %swap3A_201 = arith.index_cast %scan3A_166 : i32 to index
      %swap3A_202 = arith.constant 112 : index
      %swap3A_203 = tpu.vector_load %arg7[%swap3A_201, %swap3A_202] {strides = array<i32>} : memref<128x128xf32, #tpu.memory_space<vmem>>, vector<1x16xf32>,
      %swap3A_204 = vector.shape_cast %swap3A_203 : vector<1x16xf32> to vector<16xf32>
      %swap3A_205 = vector.shape_cast %broadcast_in_dim3A_16 : vector<16xf32> to vector<1x16xf32>
      tpu.vector_store %arg7[%swap3A_201, %swap3A_202], %swap3A_205 {strides = array<i32>} : memref<128x128xf32, #tpu.memory_space<vmem>>, vector<1x16xf32>,
    }
    %scan3A_21 = arith.constant 128 : i32
    %mul3A_22 = arith.constant 640 : i32
    %mul3A_23 = arith.muli %arg1, %mul3A_22 : i32
    %add3A_24 = arith.constant 0 : i32
    %add3A_25 = arith.addi %mul3A_23, %add3A_24 : i32
    "tpu.region"() ({
      %run_scoped3A = tpu.sem_alloc : memref<!tpu.dma_semaphore, #tpu.memory_space<semaphore_mem>>
      %dma_start3A_166 = arith.constant 0 : i32
      %dma_start3A_167 = tpu.memref_slice %arg9[%add3A_25, %dma_start3A_166] : memref<10240x128xf32, #tpu.memory_space<vmem_shared>> -> memref<128x128xf32, #tpu.memory_space<vmem_shared>>
      %dma_start3A_168 = arith.constant 0 : i32
      %dma_start3A_169 = tpu.memref_slice %arg9[%add3A_25, %dma_start3A_168] : memref<10240x128xf32, #tpu.memory_space<vmem_shared>> -> memref<128x128xf32, #tpu.memory_space<vmem_shared>>
      tpu.enqueue_dma source(%arg7 : memref<128x128xf32, #tpu.memory_space<vmem>>) target(%dma_start3A_169 : memref<128x128xf32, #tpu.memory_space<vmem_shared>>) target_semaphore(%run_scoped3A : memref<!tpu.dma_semaphore, #tpu.memory_space<semaphore_mem>>)
      %dma_wait3A_170 = arith.constant 0 : i32
      %dma_wait3A_171 = tpu.memref_slice %arg9[%add3A_25, %dma_wait3A_170] : memref<10240x128xf32, #tpu.memory_space<vmem_shared>> -> memref<128x128xf32, #tpu.memory_space<vmem_shared>>
      %dma_wait3A_172 = arith.constant 0 : i32
      %dma_wait3A_173 = tpu.memref_slice %arg9[%add3A_25, %dma_wait3A_172] : memref<10240x128xf32, #tpu.memory_space<vmem_shared>> -> memref<128x128xf32, #tpu.memory_space<vmem_shared>>
      tpu.wait_dma2 semaphore(%run_scoped3A : memref<!tpu.dma_semaphore, #tpu.memory_space<semaphore_mem>>) src(%arg7 : memref<128x128xf32, #tpu.memory_space<vmem>>) dst(%dma_wait3A_173 : memref<128x128xf32, #tpu.memory_space<vmem_shared>>)
      tpu.yield
    }) : () -> ()
    %mul3A_26 = arith.constant 640 : i32
    %mul3A_27 = arith.muli %arg1, %mul3A_26 : i32
    %add3A_28 = arith.constant 128 : i32
    %add3A_29 = arith.addi %mul3A_27, %add3A_28 : i32
    "tpu.region"() ({
      %run_scoped3A = tpu.sem_alloc : memref<!tpu.dma_semaphore, #tpu.memory_space<semaphore_mem>>
      %dma_start3A_166 = arith.constant 0 : i32
      %dma_start3A_167 = tpu.memref_slice %arg9[%add3A_29, %dma_start3A_166] : memref<10240x128xf32, #tpu.memory_space<vmem_shared>> -> memref<128x128xf32, #tpu.memory_space<vmem_shared>>
      %dma_start3A_168 = arith.constant 0 : i32
      %dma_start3A_169 = tpu.memref_slice %arg9[%add3A_29, %dma_start3A_168] : memref<10240x128xf32, #tpu.memory_space<vmem_shared>> -> memref<128x128xf32, #tpu.memory_space<vmem_shared>>
      tpu.enqueue_dma source(%arg7 : memref<128x128xf32, #tpu.memory_space<vmem>>) target(%dma_start3A_169 : memref<128x128xf32, #tpu.memory_space<vmem_shared>>) target_semaphore(%run_scoped3A : memref<!tpu.dma_semaphore, #tpu.memory_space<semaphore_mem>>)
      %dma_wait3A_170 = arith.constant 0 : i32
      %dma_wait3A_171 = tpu.memref_slice %arg9[%add3A_29, %dma_wait3A_170] : memref<10240x128xf32, #tpu.memory_space<vmem_shared>> -> memref<128x128xf32, #tpu.memory_space<vmem_shared>>
      %dma_wait3A_172 = arith.constant 0 : i32
      %dma_wait3A_173 = tpu.memref_slice %arg9[%add3A_29, %dma_wait3A_172] : memref<10240x128xf32, #tpu.memory_space<vmem_shared>> -> memref<128x128xf32, #tpu.memory_space<vmem_shared>>
      tpu.wait_dma2 semaphore(%run_scoped3A : memref<!tpu.dma_semaphore, #tpu.memory_space<semaphore_mem>>) src(%arg7 : memref<128x128xf32, #tpu.memory_space<vmem>>) dst(%dma_wait3A_173 : memref<128x128xf32, #tpu.memory_space<vmem_shared>>)
      tpu.yield
    }) : () -> ()
    %mul3A_30 = arith.constant 640 : i32
    %mul3A_31 = arith.muli %arg1, %mul3A_30 : i32
    %add3A_32 = arith.constant 256 : i32
    %add3A_33 = arith.addi %mul3A_31, %add3A_32 : i32
    "tpu.region"() ({
      %run_scoped3A = tpu.sem_alloc : memref<!tpu.dma_semaphore, #tpu.memory_space<semaphore_mem>>
      %dma_start3A_166 = arith.constant 0 : i32
      %dma_start3A_167 = tpu.memref_slice %arg9[%add3A_33, %dma_start3A_166] : memref<10240x128xf32, #tpu.memory_space<vmem_shared>> -> memref<128x128xf32, #tpu.memory_space<vmem_shared>>
      %dma_start3A_168 = arith.constant 0 : i32
      %dma_start3A_169 = tpu.memref_slice %arg9[%add3A_33, %dma_start3A_168] : memref<10240x128xf32, #tpu.memory_space<vmem_shared>> -> memref<128x128xf32, #tpu.memory_space<vmem_shared>>
      tpu.enqueue_dma source(%arg7 : memref<128x128xf32, #tpu.memory_space<vmem>>) target(%dma_start3A_169 : memref<128x128xf32, #tpu.memory_space<vmem_shared>>) target_semaphore(%run_scoped3A : memref<!tpu.dma_semaphore, #tpu.memory_space<semaphore_mem>>)
      %dma_wait3A_170 = arith.constant 0 : i32
      %dma_wait3A_171 = tpu.memref_slice %arg9[%add3A_33, %dma_wait3A_170] : memref<10240x128xf32, #tpu.memory_space<vmem_shared>> -> memref<128x128xf32, #tpu.memory_space<vmem_shared>>
      %dma_wait3A_172 = arith.constant 0 : i32
      %dma_wait3A_173 = tpu.memref_slice %arg9[%add3A_33, %dma_wait3A_172] : memref<10240x128xf32, #tpu.memory_space<vmem_shared>> -> memref<128x128xf32, #tpu.memory_space<vmem_shared>>
      tpu.wait_dma2 semaphore(%run_scoped3A : memref<!tpu.dma_semaphore, #tpu.memory_space<semaphore_mem>>) src(%arg7 : memref<128x128xf32, #tpu.memory_space<vmem>>) dst(%dma_wait3A_173 : memref<128x128xf32, #tpu.memory_space<vmem_shared>>)
      tpu.yield
    }) : () -> ()
    %mul3A_34 = arith.constant 640 : i32
    %mul3A_35 = arith.muli %arg1, %mul3A_34 : i32
    %add3A_36 = arith.constant 384 : i32
    %add3A_37 = arith.addi %mul3A_35, %add3A_36 : i32
    "tpu.region"() ({
      %run_scoped3A = tpu.sem_alloc : memref<!tpu.dma_semaphore, #tpu.memory_space<semaphore_mem>>
      %dma_start3A_166 = arith.constant 0 : i32
      %dma_start3A_167 = tpu.memref_slice %arg9[%add3A_37, %dma_start3A_166] : memref<10240x128xf32, #tpu.memory_space<vmem_shared>> -> memref<128x128xf32, #tpu.memory_space<vmem_shared>>
      %dma_start3A_168 = arith.constant 0 : i32
      %dma_start3A_169 = tpu.memref_slice %arg9[%add3A_37, %dma_start3A_168] : memref<10240x128xf32, #tpu.memory_space<vmem_shared>> -> memref<128x128xf32, #tpu.memory_space<vmem_shared>>
      tpu.enqueue_dma source(%arg7 : memref<128x128xf32, #tpu.memory_space<vmem>>) target(%dma_start3A_169 : memref<128x128xf32, #tpu.memory_space<vmem_shared>>) target_semaphore(%run_scoped3A : memref<!tpu.dma_semaphore, #tpu.memory_space<semaphore_mem>>)
      %dma_wait3A_170 = arith.constant 0 : i32
      %dma_wait3A_171 = tpu.memref_slice %arg9[%add3A_37, %dma_wait3A_170] : memref<10240x128xf32, #tpu.memory_space<vmem_shared>> -> memref<128x128xf32, #tpu.memory_space<vmem_shared>>
      %dma_wait3A_172 = arith.constant 0 : i32
      %dma_wait3A_173 = tpu.memref_slice %arg9[%add3A_37, %dma_wait3A_172] : memref<10240x128xf32, #tpu.memory_space<vmem_shared>> -> memref<128x128xf32, #tpu.memory_space<vmem_shared>>
      tpu.wait_dma2 semaphore(%run_scoped3A : memref<!tpu.dma_semaphore, #tpu.memory_space<semaphore_mem>>) src(%arg7 : memref<128x128xf32, #tpu.memory_space<vmem>>) dst(%dma_wait3A_173 : memref<128x128xf32, #tpu.memory_space<vmem_shared>>)
      tpu.yield
    }) : () -> ()
    %mul3A_38 = arith.constant 640 : i32
    %mul3A_39 = arith.muli %arg1, %mul3A_38 : i32
    %add3A_40 = arith.constant 512 : i32
    %add3A_41 = arith.addi %mul3A_39, %add3A_40 : i32
    "tpu.region"() ({
      %run_scoped3A = tpu.sem_alloc : memref<!tpu.dma_semaphore, #tpu.memory_space<semaphore_mem>>
      %dma_start3A_166 = arith.constant 0 : i32
      %dma_start3A_167 = tpu.memref_slice %arg9[%add3A_41, %dma_start3A_166] : memref<10240x128xf32, #tpu.memory_space<vmem_shared>> -> memref<128x128xf32, #tpu.memory_space<vmem_shared>>
      %dma_start3A_168 = arith.constant 0 : i32
      %dma_start3A_169 = tpu.memref_slice %arg9[%add3A_41, %dma_start3A_168] : memref<10240x128xf32, #tpu.memory_space<vmem_shared>> -> memref<128x128xf32, #tpu.memory_space<vmem_shared>>
      tpu.enqueue_dma source(%arg7 : memref<128x128xf32, #tpu.memory_space<vmem>>) target(%dma_start3A_169 : memref<128x128xf32, #tpu.memory_space<vmem_shared>>) target_semaphore(%run_scoped3A : memref<!tpu.dma_semaphore, #tpu.memory_space<semaphore_mem>>)
      %dma_wait3A_170 = arith.constant 0 : i32
      %dma_wait3A_171 = tpu.memref_slice %arg9[%add3A_41, %dma_wait3A_170] : memref<10240x128xf32, #tpu.memory_space<vmem_shared>> -> memref<128x128xf32, #tpu.memory_space<vmem_shared>>
      %dma_wait3A_172 = arith.constant 0 : i32
      %dma_wait3A_173 = tpu.memref_slice %arg9[%add3A_41, %dma_wait3A_172] : memref<10240x128xf32, #tpu.memory_space<vmem_shared>> -> memref<128x128xf32, #tpu.memory_space<vmem_shared>>
      tpu.wait_dma2 semaphore(%run_scoped3A : memref<!tpu.dma_semaphore, #tpu.memory_space<semaphore_mem>>) src(%arg7 : memref<128x128xf32, #tpu.memory_space<vmem>>) dst(%dma_wait3A_173 : memref<128x128xf32, #tpu.memory_space<vmem_shared>>)
      tpu.yield
    }) : () -> ()
    %barrier3A = arith.constant 0 : index
    tpu.barrier barrier_id(%barrier3A)
    %dma_wait3A = arith.constant 0 : i32
    %dma_wait3A_42 = arith.constant 0 : i32
    %dma_wait3A_43 = arith.constant 0 : i32
    %dma_wait3A_44 = tpu.memref_slice %arg6[%dma_wait3A, %dma_wait3A_42, %dma_wait3A_43] : memref<2x40x128xi32, #tpu.memory_space<vmem>> -> memref<2x40x128xi32, #tpu.memory_space<vmem>>
    %dma_wait3A_45 = arith.constant 0 : i32
    %dma_wait3A_46 = arith.constant 0 : i32
    %dma_wait3A_47 = tpu.memref_slice %arg2[%dma_wait3A_45, %mul3A_2, %dma_wait3A_46] : memref<2x2500x128xi32, #tpu.memory_space<hbm>> -> memref<2x40x128xi32, #tpu.memory_space<hbm>>
    %dma_wait3A_48 = arith.constant 0 : i32
    %dma_wait3A_49 = arith.constant 0 : i32
    %dma_wait3A_50 = arith.constant 0 : i32
    %dma_wait3A_51 = tpu.memref_slice %arg6[%dma_wait3A_48, %dma_wait3A_49, %dma_wait3A_50] : memref<2x40x128xi32, #tpu.memory_space<vmem>> -> memref<2x40x128xi32, #tpu.memory_space<vmem>>
    %dma_wait3A_52 = arith.constant 0 : i32
    %dma_wait3A_53 = arith.constant 0 : i32
    %dma_wait3A_54 = tpu.memref_slice %arg2[%dma_wait3A_52, %mul3A_2, %dma_wait3A_53] : memref<2x2500x128xi32, #tpu.memory_space<hbm>> -> memref<2x40x128xi32, #tpu.memory_space<hbm>>
    tpu.wait_dma2 semaphore(%arg10 : memref<!tpu.dma_semaphore, #tpu.memory_space<semaphore_mem>>) src(%dma_wait3A_54 : memref<2x40x128xi32, #tpu.memory_space<hbm>>) dst(%dma_wait3A_51 : memref<2x40x128xi32, #tpu.memory_space<vmem>>)
    %dma_start3A_55 = arith.constant 0 : i32
    %dma_start3A_56 = arith.constant 0 : i32
    %dma_start3A_57 = arith.constant 0 : i32
    %dma_start3A_58 = tpu.memref_slice %arg6[%dma_start3A_55, %dma_start3A_56, %dma_start3A_57] : memref<2x40x128xi32, #tpu.memory_space<vmem>> -> memref<1x1x128xi32, #tpu.memory_space<vmem>>
    %dma_start3A_59 = tpu.memref_squeeze %dma_start3A_58 : memref<1x1x128xi32, #tpu.memory_space<vmem>> -> memref<128xi32, #tpu.memory_space<vmem>>
    %dma_start3A_60 = arith.constant 0 : i32
    %dma_start3A_61 = arith.constant 0 : i32
    %dma_start3A_62 = tpu.memref_slice %arg4[%dma_start3A_60, %dma_start3A_61] : memref<10000x128xf32, #tpu.memory_space<hbm>> -> memref<10000x128xf32, #tpu.memory_space<hbm>>
    tpu.enqueue_indirect_dma source(%dma_start3A_62 : memref<10000x128xf32, #tpu.memory_space<hbm>>) target(%arg7 : memref<128x128xf32, #tpu.memory_space<vmem>>) offsets(%dma_start3A_59 : memref<128xi32, #tpu.memory_space<vmem>>) semaphore(%arg11 : memref<!tpu.dma_semaphore, #tpu.memory_space<semaphore_mem>>)
    %dma_start3A_63 = arith.constant 0 : i32
    %dma_start3A_64 = arith.constant 1 : i32
    %dma_start3A_65 = arith.constant 0 : i32
    %dma_start3A_66 = tpu.memref_slice %arg6[%dma_start3A_63, %dma_start3A_64, %dma_start3A_65] : memref<2x40x128xi32, #tpu.memory_space<vmem>> -> memref<1x1x128xi32, #tpu.memory_space<vmem>>
    %dma_start3A_67 = tpu.memref_squeeze %dma_start3A_66 : memref<1x1x128xi32, #tpu.memory_space<vmem>> -> memref<128xi32, #tpu.memory_space<vmem>>
    %dma_start3A_68 = arith.constant 0 : i32
    %dma_start3A_69 = arith.constant 0 : i32
    %dma_start3A_70 = tpu.memref_slice %arg4[%dma_start3A_68, %dma_start3A_69] : memref<10000x128xf32, #tpu.memory_space<hbm>> -> memref<10000x128xf32, #tpu.memory_space<hbm>>
    tpu.enqueue_indirect_dma source(%dma_start3A_70 : memref<10000x128xf32, #tpu.memory_space<hbm>>) target(%arg8 : memref<128x128xf32, #tpu.memory_space<vmem>>) offsets(%dma_start3A_67 : memref<128xi32, #tpu.memory_space<vmem>>) semaphore(%arg12 : memref<!tpu.dma_semaphore, #tpu.memory_space<semaphore_mem>>)
    %scan3A_71 = arith.constant 0 : i32
    %scan3A_72 = arith.constant 0 : i32
    %scan3A_73 = arith.constant 20 : i32
    %scan3A_74 = arith.addi %scan3A_72, %scan3A_73 : i32
    %scan3A_75 = arith.constant 1 : i32
    scf.for %scan3A_166 = %scan3A_72 to %scan3A_74 step %scan3A_75  : i32 {
      %mul3A_167 = arith.constant 2 : i32
      %mul3A_168 = arith.muli %scan3A_166, %mul3A_167 : i32
      %add3A_169 = arith.constant 0 : i32
      %add3A_170 = arith.addi %mul3A_168, %add3A_169 : i32
      %dma_wait3A_171 = arith.constant 0 : i32
      %dma_wait3A_172 = arith.constant 0 : i32
      %dma_wait3A_173 = tpu.memref_slice %arg6[%dma_wait3A_171, %add3A_170, %dma_wait3A_172] : memref<2x40x128xi32, #tpu.memory_space<vmem>> -> memref<1x1x128xi32, #tpu.memory_space<vmem>>
      %dma_wait3A_174 = tpu.memref_squeeze %dma_wait3A_173 : memref<1x1x128xi32, #tpu.memory_space<vmem>> -> memref<128xi32, #tpu.memory_space<vmem>>
      %dma_wait3A_175 = arith.constant 0 : i32
      %dma_wait3A_176 = arith.constant 0 : i32
      %dma_wait3A_177 = tpu.memref_slice %arg4[%dma_wait3A_175, %dma_wait3A_176] : memref<10000x128xf32, #tpu.memory_space<hbm>> -> memref<10000x128xf32, #tpu.memory_space<hbm>>
      tpu.wait_indirect_dma semaphore(%arg11 : memref<!tpu.dma_semaphore, #tpu.memory_space<semaphore_mem>>) src(%dma_wait3A_177 : memref<10000x128xf32, #tpu.memory_space<hbm>>) dst(%arg7 : memref<128x128xf32, #tpu.memory_space<vmem>>)
      %run_scoped3A = arith.constant 1 : i32
      "tpu.region"() ({
        %run_scoped3A_201 = tpu.sem_alloc : memref<!tpu.dma_semaphore, #tpu.memory_space<semaphore_mem>>
        %dma_start3A_202 = arith.constant 0 : i32
        %dma_start3A_203 = tpu.memref_slice %arg6[%run_scoped3A, %add3A_170, %dma_start3A_202] : memref<2x40x128xi32, #tpu.memory_space<vmem>> -> memref<1x1x128xi32, #tpu.memory_space<vmem>>
        %dma_start3A_204 = tpu.memref_squeeze %dma_start3A_203 : memref<1x1x128xi32, #tpu.memory_space<vmem>> -> memref<128xi32, #tpu.memory_space<vmem>>
        %dma_start3A_205 = arith.constant 0 : i32
        %dma_start3A_206 = arith.constant 0 : i32
        %dma_start3A_207 = tpu.memref_slice %arg9[%dma_start3A_205, %dma_start3A_206] : memref<10240x128xf32, #tpu.memory_space<vmem_shared>> -> memref<10240x128xf32, #tpu.memory_space<vmem_shared>>
        tpu.enqueue_indirect_dma source(%arg7 : memref<128x128xf32, #tpu.memory_space<vmem>>) target(%dma_start3A_207 : memref<10240x128xf32, #tpu.memory_space<vmem_shared>>) offsets(%dma_start3A_204 : memref<128xi32, #tpu.memory_space<vmem>>) semaphore(%run_scoped3A_201 : memref<!tpu.dma_semaphore, #tpu.memory_space<semaphore_mem>>) {add = true}
        %dma_wait3A_208 = arith.constant 0 : i32
        %dma_wait3A_209 = tpu.memref_slice %arg6[%run_scoped3A, %add3A_170, %dma_wait3A_208] : memref<2x40x128xi32, #tpu.memory_space<vmem>> -> memref<1x1x128xi32, #tpu.memory_space<vmem>>
        %dma_wait3A_210 = tpu.memref_squeeze %dma_wait3A_209 : memref<1x1x128xi32, #tpu.memory_space<vmem>> -> memref<128xi32, #tpu.memory_space<vmem>>
        %dma_wait3A_211 = arith.constant 0 : i32
        %dma_wait3A_212 = arith.constant 0 : i32
        %dma_wait3A_213 = tpu.memref_slice %arg9[%dma_wait3A_211, %dma_wait3A_212] : memref<10240x128xf32, #tpu.memory_space<vmem_shared>> -> memref<10240x128xf32, #tpu.memory_space<vmem_shared>>
        tpu.wait_indirect_dma semaphore(%run_scoped3A_201 : memref<!tpu.dma_semaphore, #tpu.memory_space<semaphore_mem>>) src(%arg7 : memref<128x128xf32, #tpu.memory_space<vmem>>) dst(%dma_wait3A_213 : memref<10240x128xf32, #tpu.memory_space<vmem_shared>>)
        tpu.yield
      }) : () -> ()
      %add3A_178 = arith.constant 2 : i32
      %add3A_179 = arith.addi %add3A_170, %add3A_178 : i32
      %lt3A = arith.constant 40 : i32
      %lt3A_180 = arith.cmpi slt, %add3A_179, %lt3A : i32
      %convert_element_type3A = arith.extui %lt3A_180 : i1 to i32
      %cond3A = arith.constant 0 : i32
      %cond3A_181 = arith.cmpi ne, %convert_element_type3A, %cond3A : i32
      scf.if %cond3A_181 {
        %dma_start3A_201 = arith.constant 0 : i32
        %dma_start3A_202 = arith.constant 0 : i32
        %dma_start3A_203 = tpu.memref_slice %arg6[%dma_start3A_201, %add3A_179, %dma_start3A_202] : memref<2x40x128xi32, #tpu.memory_space<vmem>> -> memref<1x1x128xi32, #tpu.memory_space<vmem>>
        %dma_start3A_204 = tpu.memref_squeeze %dma_start3A_203 : memref<1x1x128xi32, #tpu.memory_space<vmem>> -> memref<128xi32, #tpu.memory_space<vmem>>
        %dma_start3A_205 = arith.constant 0 : i32
        %dma_start3A_206 = arith.constant 0 : i32
        %dma_start3A_207 = tpu.memref_slice %arg4[%dma_start3A_205, %dma_start3A_206] : memref<10000x128xf32, #tpu.memory_space<hbm>> -> memref<10000x128xf32, #tpu.memory_space<hbm>>
        tpu.enqueue_indirect_dma source(%dma_start3A_207 : memref<10000x128xf32, #tpu.memory_space<hbm>>) target(%arg7 : memref<128x128xf32, #tpu.memory_space<vmem>>) offsets(%dma_start3A_204 : memref<128xi32, #tpu.memory_space<vmem>>) semaphore(%arg11 : memref<!tpu.dma_semaphore, #tpu.memory_space<semaphore_mem>>)
      } else {
      }
      %mul3A_182 = arith.constant 2 : i32
      %mul3A_183 = arith.muli %scan3A_166, %mul3A_182 : i32
      %add3A_184 = arith.constant 1 : i32
      %add3A_185 = arith.addi %mul3A_183, %add3A_184 : i32
      %dma_wait3A_186 = arith.constant 0 : i32
      %dma_wait3A_187 = arith.constant 0 : i32
      %dma_wait3A_188 = tpu.memref_slice %arg6[%dma_wait3A_186, %add3A_185, %dma_wait3A_187] : memref<2x40x128xi32, #tpu.memory_space<vmem>> -> memref<1x1x128xi32, #tpu.memory_space<vmem>>
      %dma_wait3A_189 = tpu.memref_squeeze %dma_wait3A_188 : memref<1x1x128xi32, #tpu.memory_space<vmem>> -> memref<128xi32, #tpu.memory_space<vmem>>
      %dma_wait3A_190 = arith.constant 0 : i32
      %dma_wait3A_191 = arith.constant 0 : i32
      %dma_wait3A_192 = tpu.memref_slice %arg4[%dma_wait3A_190, %dma_wait3A_191] : memref<10000x128xf32, #tpu.memory_space<hbm>> -> memref<10000x128xf32, #tpu.memory_space<hbm>>
      tpu.wait_indirect_dma semaphore(%arg12 : memref<!tpu.dma_semaphore, #tpu.memory_space<semaphore_mem>>) src(%dma_wait3A_192 : memref<10000x128xf32, #tpu.memory_space<hbm>>) dst(%arg8 : memref<128x128xf32, #tpu.memory_space<vmem>>)
      %run_scoped3A_193 = arith.constant 1 : i32
      "tpu.region"() ({
        %run_scoped3A_201 = tpu.sem_alloc : memref<!tpu.dma_semaphore, #tpu.memory_space<semaphore_mem>>
        %dma_start3A_202 = arith.constant 0 : i32
        %dma_start3A_203 = tpu.memref_slice %arg6[%run_scoped3A_193, %add3A_185, %dma_start3A_202] : memref<2x40x128xi32, #tpu.memory_space<vmem>> -> memref<1x1x128xi32, #tpu.memory_space<vmem>>
        %dma_start3A_204 = tpu.memref_squeeze %dma_start3A_203 : memref<1x1x128xi32, #tpu.memory_space<vmem>> -> memref<128xi32, #tpu.memory_space<vmem>>
        %dma_start3A_205 = arith.constant 0 : i32
        %dma_start3A_206 = arith.constant 0 : i32
        %dma_start3A_207 = tpu.memref_slice %arg9[%dma_start3A_205, %dma_start3A_206] : memref<10240x128xf32, #tpu.memory_space<vmem_shared>> -> memref<10240x128xf32, #tpu.memory_space<vmem_shared>>
        tpu.enqueue_indirect_dma source(%arg8 : memref<128x128xf32, #tpu.memory_space<vmem>>) target(%dma_start3A_207 : memref<10240x128xf32, #tpu.memory_space<vmem_shared>>) offsets(%dma_start3A_204 : memref<128xi32, #tpu.memory_space<vmem>>) semaphore(%run_scoped3A_201 : memref<!tpu.dma_semaphore, #tpu.memory_space<semaphore_mem>>) {add = true}
        %dma_wait3A_208 = arith.constant 0 : i32
        %dma_wait3A_209 = tpu.memref_slice %arg6[%run_scoped3A_193, %add3A_185, %dma_wait3A_208] : memref<2x40x128xi32, #tpu.memory_space<vmem>> -> memref<1x1x128xi32, #tpu.memory_space<vmem>>
        %dma_wait3A_210 = tpu.memref_squeeze %dma_wait3A_209 : memref<1x1x128xi32, #tpu.memory_space<vmem>> -> memref<128xi32, #tpu.memory_space<vmem>>
        %dma_wait3A_211 = arith.constant 0 : i32
        %dma_wait3A_212 = arith.constant 0 : i32
        %dma_wait3A_213 = tpu.memref_slice %arg9[%dma_wait3A_211, %dma_wait3A_212] : memref<10240x128xf32, #tpu.memory_space<vmem_shared>> -> memref<10240x128xf32, #tpu.memory_space<vmem_shared>>
        tpu.wait_indirect_dma semaphore(%run_scoped3A_201 : memref<!tpu.dma_semaphore, #tpu.memory_space<semaphore_mem>>) src(%arg8 : memref<128x128xf32, #tpu.memory_space<vmem>>) dst(%dma_wait3A_213 : memref<10240x128xf32, #tpu.memory_space<vmem_shared>>)
        tpu.yield
      }) : () -> ()
      %add3A_194 = arith.constant 2 : i32
      %add3A_195 = arith.addi %add3A_185, %add3A_194 : i32
      %lt3A_196 = arith.constant 40 : i32
      %lt3A_197 = arith.cmpi slt, %add3A_195, %lt3A_196 : i32
      %convert_element_type3A_198 = arith.extui %lt3A_197 : i1 to i32
      %cond3A_199 = arith.constant 0 : i32
      %cond3A_200 = arith.cmpi ne, %convert_element_type3A_198, %cond3A_199 : i32
      scf.if %cond3A_200 {
        %dma_start3A_201 = arith.constant 0 : i32
        %dma_start3A_202 = arith.constant 0 : i32
        %dma_start3A_203 = tpu.memref_slice %arg6[%dma_start3A_201, %add3A_195, %dma_start3A_202] : memref<2x40x128xi32, #tpu.memory_space<vmem>> -> memref<1x1x128xi32, #tpu.memory_space<vmem>>
        %dma_start3A_204 = tpu.memref_squeeze %dma_start3A_203 : memref<1x1x128xi32, #tpu.memory_space<vmem>> -> memref<128xi32, #tpu.memory_space<vmem>>
        %dma_start3A_205 = arith.constant 0 : i32
        %dma_start3A_206 = arith.constant 0 : i32
        %dma_start3A_207 = tpu.memref_slice %arg4[%dma_start3A_205, %dma_start3A_206] : memref<10000x128xf32, #tpu.memory_space<hbm>> -> memref<10000x128xf32, #tpu.memory_space<hbm>>
        tpu.enqueue_indirect_dma source(%dma_start3A_207 : memref<10000x128xf32, #tpu.memory_space<hbm>>) target(%arg8 : memref<128x128xf32, #tpu.memory_space<vmem>>) offsets(%dma_start3A_204 : memref<128xi32, #tpu.memory_space<vmem>>) semaphore(%arg12 : memref<!tpu.dma_semaphore, #tpu.memory_space<semaphore_mem>>)
      } else {
      }
    }
    %scan3A_76 = arith.constant 20 : i32
    %mul3A_77 = arith.constant 72 : i32
    %mul3A_78 = arith.muli %add3A, %mul3A_77 : i32
    %add3A_79 = arith.constant 40 : i32
    %add3A_80 = arith.addi %mul3A_78, %add3A_79 : i32
    %dma_start3A_81 = arith.constant 0 : i32
    %dma_start3A_82 = arith.constant 0 : i32
    %dma_start3A_83 = arith.constant 0 : i32
    %dma_start3A_84 = tpu.memref_slice %arg6[%dma_start3A_81, %dma_start3A_82, %dma_start3A_83] : memref<2x40x128xi32, #tpu.memory_space<vmem>> -> memref<2x32x128xi32, #tpu.memory_space<vmem>>
    %dma_start3A_85 = arith.constant 0 : i32
    %dma_start3A_86 = arith.constant 0 : i32
    %dma_start3A_87 = tpu.memref_slice %arg2[%dma_start3A_85, %add3A_80, %dma_start3A_86] : memref<2x2500x128xi32, #tpu.memory_space<hbm>> -> memref<2x32x128xi32, #tpu.memory_space<hbm>>
    %dma_start3A_88 = arith.constant 0 : i32
    %dma_start3A_89 = arith.constant 0 : i32
    %dma_start3A_90 = arith.constant 0 : i32
    %dma_start3A_91 = tpu.memref_slice %arg6[%dma_start3A_88, %dma_start3A_89, %dma_start3A_90] : memref<2x40x128xi32, #tpu.memory_space<vmem>> -> memref<2x32x128xi32, #tpu.memory_space<vmem>>
    %dma_start3A_92 = arith.constant 0 : i32
    %dma_start3A_93 = arith.constant 0 : i32
    %dma_start3A_94 = tpu.memref_slice %arg2[%dma_start3A_92, %add3A_80, %dma_start3A_93] : memref<2x2500x128xi32, #tpu.memory_space<hbm>> -> memref<2x32x128xi32, #tpu.memory_space<hbm>>
    tpu.enqueue_dma source(%dma_start3A_94 : memref<2x32x128xi32, #tpu.memory_space<hbm>>) target(%dma_start3A_91 : memref<2x32x128xi32, #tpu.memory_space<vmem>>) target_semaphore(%arg10 : memref<!tpu.dma_semaphore, #tpu.memory_space<semaphore_mem>>)
    %mul3A_95 = arith.constant 8 : i32
    %mul3A_96 = arith.muli %mul3A_95, %add3A : i32
    %dma_start3A_97 = arith.constant 0 : i32
    %dma_start3A_98 = arith.constant 32 : i32
    %dma_start3A_99 = arith.constant 0 : i32
    %dma_start3A_100 = tpu.memref_slice %arg6[%dma_start3A_97, %dma_start3A_98, %dma_start3A_99] : memref<2x40x128xi32, #tpu.memory_space<vmem>> -> memref<2x8x128xi32, #tpu.memory_space<vmem>>
    %dma_start3A_101 = arith.constant 0 : i32
    %dma_start3A_102 = arith.constant 0 : i32
    %dma_start3A_103 = tpu.memref_slice %arg3[%dma_start3A_101, %mul3A_96, %dma_start3A_102] : memref<2x256x128xi32, #tpu.memory_space<hbm>> -> memref<2x8x128xi32, #tpu.memory_space<hbm>>
    %dma_start3A_104 = arith.constant 0 : i32
    %dma_start3A_105 = arith.constant 32 : i32
    %dma_start3A_106 = arith.constant 0 : i32
    %dma_start3A_107 = tpu.memref_slice %arg6[%dma_start3A_104, %dma_start3A_105, %dma_start3A_106] : memref<2x40x128xi32, #tpu.memory_space<vmem>> -> memref<2x8x128xi32, #tpu.memory_space<vmem>>
    %dma_start3A_108 = arith.constant 0 : i32
    %dma_start3A_109 = arith.constant 0 : i32
    %dma_start3A_110 = tpu.memref_slice %arg3[%dma_start3A_108, %mul3A_96, %dma_start3A_109] : memref<2x256x128xi32, #tpu.memory_space<hbm>> -> memref<2x8x128xi32, #tpu.memory_space<hbm>>
    tpu.enqueue_dma source(%dma_start3A_110 : memref<2x8x128xi32, #tpu.memory_space<hbm>>) target(%dma_start3A_107 : memref<2x8x128xi32, #tpu.memory_space<vmem>>) target_semaphore(%arg10 : memref<!tpu.dma_semaphore, #tpu.memory_space<semaphore_mem>>)
    %dma_wait3A_111 = arith.constant 0 : i32
    %dma_wait3A_112 = arith.constant 0 : i32
    %dma_wait3A_113 = arith.constant 0 : i32
    %dma_wait3A_114 = tpu.memref_slice %arg6[%dma_wait3A_111, %dma_wait3A_112, %dma_wait3A_113] : memref<2x40x128xi32, #tpu.memory_space<vmem>> -> memref<2x32x128xi32, #tpu.memory_space<vmem>>
    %dma_wait3A_115 = arith.constant 0 : i32
    %dma_wait3A_116 = arith.constant 0 : i32
    %dma_wait3A_117 = tpu.memref_slice %arg2[%dma_wait3A_115, %add3A_80, %dma_wait3A_116] : memref<2x2500x128xi32, #tpu.memory_space<hbm>> -> memref<2x32x128xi32, #tpu.memory_space<hbm>>
    %dma_wait3A_118 = arith.constant 0 : i32
    %dma_wait3A_119 = arith.constant 0 : i32
    %dma_wait3A_120 = arith.constant 0 : i32
    %dma_wait3A_121 = tpu.memref_slice %arg6[%dma_wait3A_118, %dma_wait3A_119, %dma_wait3A_120] : memref<2x40x128xi32, #tpu.memory_space<vmem>> -> memref<2x32x128xi32, #tpu.memory_space<vmem>>
    %dma_wait3A_122 = arith.constant 0 : i32
    %dma_wait3A_123 = arith.constant 0 : i32
    %dma_wait3A_124 = tpu.memref_slice %arg2[%dma_wait3A_122, %add3A_80, %dma_wait3A_123] : memref<2x2500x128xi32, #tpu.memory_space<hbm>> -> memref<2x32x128xi32, #tpu.memory_space<hbm>>
    tpu.wait_dma2 semaphore(%arg10 : memref<!tpu.dma_semaphore, #tpu.memory_space<semaphore_mem>>) src(%dma_wait3A_124 : memref<2x32x128xi32, #tpu.memory_space<hbm>>) dst(%dma_wait3A_121 : memref<2x32x128xi32, #tpu.memory_space<vmem>>)
    %dma_wait3A_125 = arith.constant 0 : i32
    %dma_wait3A_126 = arith.constant 32 : i32
    %dma_wait3A_127 = arith.constant 0 : i32
    %dma_wait3A_128 = tpu.memref_slice %arg6[%dma_wait3A_125, %dma_wait3A_126, %dma_wait3A_127] : memref<2x40x128xi32, #tpu.memory_space<vmem>> -> memref<2x8x128xi32, #tpu.memory_space<vmem>>
    %dma_wait3A_129 = arith.constant 0 : i32
    %dma_wait3A_130 = arith.constant 0 : i32
    %dma_wait3A_131 = tpu.memref_slice %arg3[%dma_wait3A_129, %mul3A_96, %dma_wait3A_130] : memref<2x256x128xi32, #tpu.memory_space<hbm>> -> memref<2x8x128xi32, #tpu.memory_space<hbm>>
    %dma_wait3A_132 = arith.constant 0 : i32
    %dma_wait3A_133 = arith.constant 32 : i32
    %dma_wait3A_134 = arith.constant 0 : i32
    %dma_wait3A_135 = tpu.memref_slice %arg6[%dma_wait3A_132, %dma_wait3A_133, %dma_wait3A_134] : memref<2x40x128xi32, #tpu.memory_space<vmem>> -> memref<2x8x128xi32, #tpu.memory_space<vmem>>
    %dma_wait3A_136 = arith.constant 0 : i32
    %dma_wait3A_137 = arith.constant 0 : i32
    %dma_wait3A_138 = tpu.memref_slice %arg3[%dma_wait3A_136, %mul3A_96, %dma_wait3A_137] : memref<2x256x128xi32, #tpu.memory_space<hbm>> -> memref<2x8x128xi32, #tpu.memory_space<hbm>>
    tpu.wait_dma2 semaphore(%arg10 : memref<!tpu.dma_semaphore, #tpu.memory_space<semaphore_mem>>) src(%dma_wait3A_138 : memref<2x8x128xi32, #tpu.memory_space<hbm>>) dst(%dma_wait3A_135 : memref<2x8x128xi32, #tpu.memory_space<vmem>>)
    %dma_start3A_139 = arith.constant 0 : i32
    %dma_start3A_140 = arith.constant 0 : i32
    %dma_start3A_141 = arith.constant 0 : i32
    %dma_start3A_142 = tpu.memref_slice %arg6[%dma_start3A_139, %dma_start3A_140, %dma_start3A_141] : memref<2x40x128xi32, #tpu.memory_space<vmem>> -> memref<1x1x128xi32, #tpu.memory_space<vmem>>
    %dma_start3A_143 = tpu.memref_squeeze %dma_start3A_142 : memref<1x1x128xi32, #tpu.memory_space<vmem>> -> memref<128xi32, #tpu.memory_space<vmem>>
    %dma_start3A_144 = arith.constant 0 : i32
    %dma_start3A_145 = arith.constant 0 : i32
    %dma_start3A_146 = tpu.memref_slice %arg4[%dma_start3A_144, %dma_start3A_145] : memref<10000x128xf32, #tpu.memory_space<hbm>> -> memref<10000x128xf32, #tpu.memory_space<hbm>>
    tpu.enqueue_indirect_dma source(%dma_start3A_146 : memref<10000x128xf32, #tpu.memory_space<hbm>>) target(%arg7 : memref<128x128xf32, #tpu.memory_space<vmem>>) offsets(%dma_start3A_143 : memref<128xi32, #tpu.memory_space<vmem>>) semaphore(%arg11 : memref<!tpu.dma_semaphore, #tpu.memory_space<semaphore_mem>>)
    %dma_start3A_147 = arith.constant 0 : i32
    %dma_start3A_148 = arith.constant 1 : i32
    %dma_start3A_149 = arith.constant 0 : i32
    %dma_start3A_150 = tpu.memref_slice %arg6[%dma_start3A_147, %dma_start3A_148, %dma_start3A_149] : memref<2x40x128xi32, #tpu.memory_space<vmem>> -> memref<1x1x128xi32, #tpu.memory_space<vmem>>
    %dma_start3A_151 = tpu.memref_squeeze %dma_start3A_150 : memref<1x1x128xi32, #tpu.memory_space<vmem>> -> memref<128xi32, #tpu.memory_space<vmem>>
    %dma_start3A_152 = arith.constant 0 : i32
    %dma_start3A_153 = arith.constant 0 : i32
    %dma_start3A_154 = tpu.memref_slice %arg4[%dma_start3A_152, %dma_start3A_153] : memref<10000x128xf32, #tpu.memory_space<hbm>> -> memref<10000x128xf32, #tpu.memory_space<hbm>>
    tpu.enqueue_indirect_dma source(%dma_start3A_154 : memref<10000x128xf32, #tpu.memory_space<hbm>>) target(%arg8 : memref<128x128xf32, #tpu.memory_space<vmem>>) offsets(%dma_start3A_151 : memref<128xi32, #tpu.memory_space<vmem>>) semaphore(%arg12 : memref<!tpu.dma_semaphore, #tpu.memory_space<semaphore_mem>>)
    %scan3A_155 = arith.constant 0 : i32
    %scan3A_156 = arith.constant 0 : i32
    %scan3A_157 = arith.constant 20 : i32
    %scan3A_158 = arith.addi %scan3A_156, %scan3A_157 : i32
    %scan3A_159 = arith.constant 1 : i32
    scf.for %scan3A_166 = %scan3A_156 to %scan3A_158 step %scan3A_159  : i32 {
      %mul3A_167 = arith.constant 2 : i32
      %mul3A_168 = arith.muli %scan3A_166, %mul3A_167 : i32
      %add3A_169 = arith.constant 0 : i32
      %add3A_170 = arith.addi %mul3A_168, %add3A_169 : i32
      %dma_wait3A_171 = arith.constant 0 : i32
      %dma_wait3A_172 = arith.constant 0 : i32
      %dma_wait3A_173 = tpu.memref_slice %arg6[%dma_wait3A_171, %add3A_170, %dma_wait3A_172] : memref<2x40x128xi32, #tpu.memory_space<vmem>> -> memref<1x1x128xi32, #tpu.memory_space<vmem>>
      %dma_wait3A_174 = tpu.memref_squeeze %dma_wait3A_173 : memref<1x1x128xi32, #tpu.memory_space<vmem>> -> memref<128xi32, #tpu.memory_space<vmem>>
      %dma_wait3A_175 = arith.constant 0 : i32
      %dma_wait3A_176 = arith.constant 0 : i32
      %dma_wait3A_177 = tpu.memref_slice %arg4[%dma_wait3A_175, %dma_wait3A_176] : memref<10000x128xf32, #tpu.memory_space<hbm>> -> memref<10000x128xf32, #tpu.memory_space<hbm>>
      tpu.wait_indirect_dma semaphore(%arg11 : memref<!tpu.dma_semaphore, #tpu.memory_space<semaphore_mem>>) src(%dma_wait3A_177 : memref<10000x128xf32, #tpu.memory_space<hbm>>) dst(%arg7 : memref<128x128xf32, #tpu.memory_space<vmem>>)
      %run_scoped3A = arith.constant 1 : i32
      "tpu.region"() ({
        %run_scoped3A_201 = tpu.sem_alloc : memref<!tpu.dma_semaphore, #tpu.memory_space<semaphore_mem>>
        %dma_start3A_202 = arith.constant 0 : i32
        %dma_start3A_203 = tpu.memref_slice %arg6[%run_scoped3A, %add3A_170, %dma_start3A_202] : memref<2x40x128xi32, #tpu.memory_space<vmem>> -> memref<1x1x128xi32, #tpu.memory_space<vmem>>
        %dma_start3A_204 = tpu.memref_squeeze %dma_start3A_203 : memref<1x1x128xi32, #tpu.memory_space<vmem>> -> memref<128xi32, #tpu.memory_space<vmem>>
        %dma_start3A_205 = arith.constant 0 : i32
        %dma_start3A_206 = arith.constant 0 : i32
        %dma_start3A_207 = tpu.memref_slice %arg9[%dma_start3A_205, %dma_start3A_206] : memref<10240x128xf32, #tpu.memory_space<vmem_shared>> -> memref<10240x128xf32, #tpu.memory_space<vmem_shared>>
        tpu.enqueue_indirect_dma source(%arg7 : memref<128x128xf32, #tpu.memory_space<vmem>>) target(%dma_start3A_207 : memref<10240x128xf32, #tpu.memory_space<vmem_shared>>) offsets(%dma_start3A_204 : memref<128xi32, #tpu.memory_space<vmem>>) semaphore(%run_scoped3A_201 : memref<!tpu.dma_semaphore, #tpu.memory_space<semaphore_mem>>) {add = true}
        %dma_wait3A_208 = arith.constant 0 : i32
        %dma_wait3A_209 = tpu.memref_slice %arg6[%run_scoped3A, %add3A_170, %dma_wait3A_208] : memref<2x40x128xi32, #tpu.memory_space<vmem>> -> memref<1x1x128xi32, #tpu.memory_space<vmem>>
        %dma_wait3A_210 = tpu.memref_squeeze %dma_wait3A_209 : memref<1x1x128xi32, #tpu.memory_space<vmem>> -> memref<128xi32, #tpu.memory_space<vmem>>
        %dma_wait3A_211 = arith.constant 0 : i32
        %dma_wait3A_212 = arith.constant 0 : i32
        %dma_wait3A_213 = tpu.memref_slice %arg9[%dma_wait3A_211, %dma_wait3A_212] : memref<10240x128xf32, #tpu.memory_space<vmem_shared>> -> memref<10240x128xf32, #tpu.memory_space<vmem_shared>>
        tpu.wait_indirect_dma semaphore(%run_scoped3A_201 : memref<!tpu.dma_semaphore, #tpu.memory_space<semaphore_mem>>) src(%arg7 : memref<128x128xf32, #tpu.memory_space<vmem>>) dst(%dma_wait3A_213 : memref<10240x128xf32, #tpu.memory_space<vmem_shared>>)
        tpu.yield
      }) : () -> ()
      %add3A_178 = arith.constant 2 : i32
      %add3A_179 = arith.addi %add3A_170, %add3A_178 : i32
      %lt3A = arith.constant 40 : i32
      %lt3A_180 = arith.cmpi slt, %add3A_179, %lt3A : i32
      %convert_element_type3A = arith.extui %lt3A_180 : i1 to i32
      %cond3A = arith.constant 0 : i32
      %cond3A_181 = arith.cmpi ne, %convert_element_type3A, %cond3A : i32
      scf.if %cond3A_181 {
        %dma_start3A_201 = arith.constant 0 : i32
        %dma_start3A_202 = arith.constant 0 : i32
        %dma_start3A_203 = tpu.memref_slice %arg6[%dma_start3A_201, %add3A_179, %dma_start3A_202] : memref<2x40x128xi32, #tpu.memory_space<vmem>> -> memref<1x1x128xi32, #tpu.memory_space<vmem>>
        %dma_start3A_204 = tpu.memref_squeeze %dma_start3A_203 : memref<1x1x128xi32, #tpu.memory_space<vmem>> -> memref<128xi32, #tpu.memory_space<vmem>>
        %dma_start3A_205 = arith.constant 0 : i32
        %dma_start3A_206 = arith.constant 0 : i32
        %dma_start3A_207 = tpu.memref_slice %arg4[%dma_start3A_205, %dma_start3A_206] : memref<10000x128xf32, #tpu.memory_space<hbm>> -> memref<10000x128xf32, #tpu.memory_space<hbm>>
        tpu.enqueue_indirect_dma source(%dma_start3A_207 : memref<10000x128xf32, #tpu.memory_space<hbm>>) target(%arg7 : memref<128x128xf32, #tpu.memory_space<vmem>>) offsets(%dma_start3A_204 : memref<128xi32, #tpu.memory_space<vmem>>) semaphore(%arg11 : memref<!tpu.dma_semaphore, #tpu.memory_space<semaphore_mem>>)
      } else {
      }
      %mul3A_182 = arith.constant 2 : i32
      %mul3A_183 = arith.muli %scan3A_166, %mul3A_182 : i32
      %add3A_184 = arith.constant 1 : i32
      %add3A_185 = arith.addi %mul3A_183, %add3A_184 : i32
      %dma_wait3A_186 = arith.constant 0 : i32
      %dma_wait3A_187 = arith.constant 0 : i32
      %dma_wait3A_188 = tpu.memref_slice %arg6[%dma_wait3A_186, %add3A_185, %dma_wait3A_187] : memref<2x40x128xi32, #tpu.memory_space<vmem>> -> memref<1x1x128xi32, #tpu.memory_space<vmem>>
      %dma_wait3A_189 = tpu.memref_squeeze %dma_wait3A_188 : memref<1x1x128xi32, #tpu.memory_space<vmem>> -> memref<128xi32, #tpu.memory_space<vmem>>
      %dma_wait3A_190 = arith.constant 0 : i32
      %dma_wait3A_191 = arith.constant 0 : i32
      %dma_wait3A_192 = tpu.memref_slice %arg4[%dma_wait3A_190, %dma_wait3A_191] : memref<10000x128xf32, #tpu.memory_space<hbm>> -> memref<10000x128xf32, #tpu.memory_space<hbm>>
      tpu.wait_indirect_dma semaphore(%arg12 : memref<!tpu.dma_semaphore, #tpu.memory_space<semaphore_mem>>) src(%dma_wait3A_192 : memref<10000x128xf32, #tpu.memory_space<hbm>>) dst(%arg8 : memref<128x128xf32, #tpu.memory_space<vmem>>)
      %run_scoped3A_193 = arith.constant 1 : i32
      "tpu.region"() ({
        %run_scoped3A_201 = tpu.sem_alloc : memref<!tpu.dma_semaphore, #tpu.memory_space<semaphore_mem>>
        %dma_start3A_202 = arith.constant 0 : i32
        %dma_start3A_203 = tpu.memref_slice %arg6[%run_scoped3A_193, %add3A_185, %dma_start3A_202] : memref<2x40x128xi32, #tpu.memory_space<vmem>> -> memref<1x1x128xi32, #tpu.memory_space<vmem>>
        %dma_start3A_204 = tpu.memref_squeeze %dma_start3A_203 : memref<1x1x128xi32, #tpu.memory_space<vmem>> -> memref<128xi32, #tpu.memory_space<vmem>>
        %dma_start3A_205 = arith.constant 0 : i32
        %dma_start3A_206 = arith.constant 0 : i32
        %dma_start3A_207 = tpu.memref_slice %arg9[%dma_start3A_205, %dma_start3A_206] : memref<10240x128xf32, #tpu.memory_space<vmem_shared>> -> memref<10240x128xf32, #tpu.memory_space<vmem_shared>>
        tpu.enqueue_indirect_dma source(%arg8 : memref<128x128xf32, #tpu.memory_space<vmem>>) target(%dma_start3A_207 : memref<10240x128xf32, #tpu.memory_space<vmem_shared>>) offsets(%dma_start3A_204 : memref<128xi32, #tpu.memory_space<vmem>>) semaphore(%run_scoped3A_201 : memref<!tpu.dma_semaphore, #tpu.memory_space<semaphore_mem>>) {add = true}
        %dma_wait3A_208 = arith.constant 0 : i32
        %dma_wait3A_209 = tpu.memref_slice %arg6[%run_scoped3A_193, %add3A_185, %dma_wait3A_208] : memref<2x40x128xi32, #tpu.memory_space<vmem>> -> memref<1x1x128xi32, #tpu.memory_space<vmem>>
        %dma_wait3A_210 = tpu.memref_squeeze %dma_wait3A_209 : memref<1x1x128xi32, #tpu.memory_space<vmem>> -> memref<128xi32, #tpu.memory_space<vmem>>
        %dma_wait3A_211 = arith.constant 0 : i32
        %dma_wait3A_212 = arith.constant 0 : i32
        %dma_wait3A_213 = tpu.memref_slice %arg9[%dma_wait3A_211, %dma_wait3A_212] : memref<10240x128xf32, #tpu.memory_space<vmem_shared>> -> memref<10240x128xf32, #tpu.memory_space<vmem_shared>>
        tpu.wait_indirect_dma semaphore(%run_scoped3A_201 : memref<!tpu.dma_semaphore, #tpu.memory_space<semaphore_mem>>) src(%arg8 : memref<128x128xf32, #tpu.memory_space<vmem>>) dst(%dma_wait3A_213 : memref<10240x128xf32, #tpu.memory_space<vmem_shared>>)
        tpu.yield
      }) : () -> ()
      %add3A_194 = arith.constant 2 : i32
      %add3A_195 = arith.addi %add3A_185, %add3A_194 : i32
      %lt3A_196 = arith.constant 40 : i32
      %lt3A_197 = arith.cmpi slt, %add3A_195, %lt3A_196 : i32
      %convert_element_type3A_198 = arith.extui %lt3A_197 : i1 to i32
      %cond3A_199 = arith.constant 0 : i32
      %cond3A_200 = arith.cmpi ne, %convert_element_type3A_198, %cond3A_199 : i32
      scf.if %cond3A_200 {
        %dma_start3A_201 = arith.constant 0 : i32
        %dma_start3A_202 = arith.constant 0 : i32
        %dma_start3A_203 = tpu.memref_slice %arg6[%dma_start3A_201, %add3A_195, %dma_start3A_202] : memref<2x40x128xi32, #tpu.memory_space<vmem>> -> memref<1x1x128xi32, #tpu.memory_space<vmem>>
        %dma_start3A_204 = tpu.memref_squeeze %dma_start3A_203 : memref<1x1x128xi32, #tpu.memory_space<vmem>> -> memref<128xi32, #tpu.memory_space<vmem>>
        %dma_start3A_205 = arith.constant 0 : i32
        %dma_start3A_206 = arith.constant 0 : i32
        %dma_start3A_207 = tpu.memref_slice %arg4[%dma_start3A_205, %dma_start3A_206] : memref<10000x128xf32, #tpu.memory_space<hbm>> -> memref<10000x128xf32, #tpu.memory_space<hbm>>
        tpu.enqueue_indirect_dma source(%dma_start3A_207 : memref<10000x128xf32, #tpu.memory_space<hbm>>) target(%arg8 : memref<128x128xf32, #tpu.memory_space<vmem>>) offsets(%dma_start3A_204 : memref<128xi32, #tpu.memory_space<vmem>>) semaphore(%arg12 : memref<!tpu.dma_semaphore, #tpu.memory_space<semaphore_mem>>)
      } else {
      }
    }
    %scan3A_160 = arith.constant 20 : i32
    %barrier3A_161 = arith.constant 0 : index
    tpu.barrier barrier_id(%barrier3A_161)
    %mul3A_162 = arith.constant 640 : i32
    %mul3A_163 = arith.muli %arg1, %mul3A_162 : i32
    %mul3A_164 = arith.constant 640 : i32
    %mul3A_165 = arith.muli %arg1, %mul3A_164 : i32
    "tpu.region"() ({
      %run_scoped3A = tpu.sem_alloc : memref<!tpu.dma_semaphore, #tpu.memory_space<semaphore_mem>>
      %dma_start3A_166 = arith.constant 0 : i32
      %dma_start3A_167 = tpu.memref_slice %arg5[%arg0, %mul3A_165, %dma_start3A_166] : memref<2x10240x128xf32, #tpu.memory_space<hbm>> -> memref<1x640x128xf32, #tpu.memory_space<hbm>>
      %dma_start3A_168 = tpu.memref_squeeze %dma_start3A_167 : memref<1x640x128xf32, #tpu.memory_space<hbm>> -> memref<640x128xf32, #tpu.memory_space<hbm>>
      %dma_start3A_169 = arith.constant 0 : i32
      %dma_start3A_170 = tpu.memref_slice %arg9[%mul3A_163, %dma_start3A_169] : memref<10240x128xf32, #tpu.memory_space<vmem_shared>> -> memref<640x128xf32, #tpu.memory_space<vmem_shared>>
      tpu.enqueue_dma source(%dma_start3A_170 : memref<640x128xf32, #tpu.memory_space<vmem_shared>>) target(%dma_start3A_168 : memref<640x128xf32, #tpu.memory_space<hbm>>) target_semaphore(%run_scoped3A : memref<!tpu.dma_semaphore, #tpu.memory_space<semaphore_mem>>)
      %dma_wait3A_171 = arith.constant 0 : i32
      %dma_wait3A_172 = tpu.memref_slice %arg5[%arg0, %mul3A_165, %dma_wait3A_171] : memref<2x10240x128xf32, #tpu.memory_space<hbm>> -> memref<1x640x128xf32, #tpu.memory_space<hbm>>
      %dma_wait3A_173 = tpu.memref_squeeze %dma_wait3A_172 : memref<1x640x128xf32, #tpu.memory_space<hbm>> -> memref<640x128xf32, #tpu.memory_space<hbm>>
      %dma_wait3A_174 = arith.constant 0 : i32
      %dma_wait3A_175 = tpu.memref_slice %arg9[%mul3A_163, %dma_wait3A_174] : memref<10240x128xf32, #tpu.memory_space<vmem_shared>> -> memref<640x128xf32, #tpu.memory_space<vmem_shared>>
      tpu.wait_dma2 semaphore(%run_scoped3A : memref<!tpu.dma_semaphore, #tpu.memory_space<semaphore_mem>>) src(%dma_wait3A_175 : memref<640x128xf32, #tpu.memory_space<vmem_shared>>) dst(%dma_wait3A_173 : memref<640x128xf32, #tpu.memory_space<hbm>>)
      tpu.yield
    }) : () -> ()
    return
  }
}

module attributes {stable_mosaic.version = 14 : i64} {
  func.func @_tc_self_body(%arg0: i32, %arg1: memref<2000x128xf32, #tpu.memory_space<vmem>>, %arg2: memref<128x128xf32, #tpu.memory_space<vmem>>, %arg3: memref<2000x128xf32, #tpu.memory_space<vmem>>) attributes {dimension_semantics = [#tpu.dimension_semantics<arbitrary>], iteration_bounds = array<i64: 5>, scalar_prefetch = 0 : i64, scratch_operands = 0 : i64, tpu.core_type = #tpu.core_type<tc>, window_params = [{transform_indices = @transform_0, window_bounds = array<i64: 2000, 128>}, {pipeline_mode = #tpu.pipeline_mode<synchronous>, transform_indices = @transform_1, window_bounds = array<i64: 128, 128>}, {transform_indices = @transform_2, window_bounds = array<i64: 2000, 128>}]} {
    %get3A = arith.constant 0 : index
    %get3A_0 = arith.constant 0 : index
    %get3A_1 = vector.load %arg1[%get3A, %get3A_0] : memref<2000x128xf32, #tpu.memory_space<vmem>>, vector<2000x128xf32>
    %get3A_2 = arith.constant 0 : index
    %get3A_3 = arith.constant 0 : index
    %get3A_4 = vector.load %arg2[%get3A_2, %get3A_3] : memref<128x128xf32, #tpu.memory_space<vmem>>, vector<128x128xf32>
    %dot_general3A = arith.constant dense<0.000000e+00> : vector<2000x128xf32>
    %dot_general3A_5 = tpu.matmul %get3A_1, %get3A_4, %dot_general3A {dimension_numbers = #tpu.dot_dimension_numbers<[1], [0], [0], [1], [0, 0, 1, 1], [], []>, precision = #tpu.contract_precision<fp32>, transpose_lhs_hint = false} : vector<2000x128xf32>, vector<128x128xf32>, vector<2000x128xf32> -> vector<2000x128xf32>
    %swap3A = arith.constant 0 : index
    %swap3A_6 = arith.constant 0 : index
    %swap3A_7 = vector.load %arg3[%swap3A, %swap3A_6] : memref<2000x128xf32, #tpu.memory_space<vmem>>, vector<2000x128xf32>
    tpu.vector_store %arg3[%swap3A, %swap3A_6], %dot_general3A_5 {strides = array<i32>} : memref<2000x128xf32, #tpu.memory_space<vmem>>, vector<2000x128xf32>,
    return
  }
  func.func @transform_0(%arg0: i32) -> (i32, i32) {
    %c0_i32 = arith.constant 0 : i32
    %c0_i32_0 = arith.constant 0 : i32
    return %arg0, %c0_i32 : i32, i32
  }
  func.func @transform_1(%arg0: i32) -> (i32, i32) {
    %c0_i32 = arith.constant 0 : i32
    %c0_i32_0 = arith.constant 0 : i32
    %c0_i32_1 = arith.constant 0 : i32
    return %c0_i32, %c0_i32_0 : i32, i32
  }
  func.func @transform_2(%arg0: i32) -> (i32, i32) {
    %c0_i32 = arith.constant 0 : i32
    %c0_i32_0 = arith.constant 0 : i32
    return %arg0, %c0_i32 : i32, i32
  }
}

module attributes {stable_mosaic.version = 14 : i64} {
  func.func @_tc_body(%arg0: i32, %arg1: memref<2000x1xi32, #tpu.memory_space<vmem>>, %arg2: memref<2000x128xf32, #tpu.memory_space<vmem>>, %arg3: memref<2x2000x128xf32, #tpu.memory_space<vmem>>, %arg4: memref<128x128xf32, #tpu.memory_space<vmem>>, %arg5: memref<128x128xf32, #tpu.memory_space<vmem>>, %arg6: memref<1x128xf32, #tpu.memory_space<vmem>>, %arg7: memref<128x128xf32, #tpu.memory_space<vmem>>, %arg8: memref<1x128xf32, #tpu.memory_space<vmem>>, %arg9: memref<64x128xf32, #tpu.memory_space<vmem>>) attributes {dimension_semantics = [#tpu.dimension_semantics<arbitrary>], iteration_bounds = array<i64: 5>, scalar_prefetch = 0 : i64, scratch_operands = 0 : i64, tpu.core_type = #tpu.core_type<tc>, window_params = [{transform_indices = @transform_0, window_bounds = array<i64: 2000, 1>}, {transform_indices = @transform_1, window_bounds = array<i64: 2000, 128>}, {transform_indices = @transform_2, window_bounds = array<i64: 2, 2000, 128>}, {pipeline_mode = #tpu.pipeline_mode<synchronous>, transform_indices = @transform_3, window_bounds = array<i64: 128, 128>}, {pipeline_mode = #tpu.pipeline_mode<synchronous>, transform_indices = @transform_4, window_bounds = array<i64: 128, 128>}, {pipeline_mode = #tpu.pipeline_mode<synchronous>, transform_indices = @transform_5, window_bounds = array<i64: 1, 128>}, {pipeline_mode = #tpu.pipeline_mode<synchronous>, transform_indices = @transform_6, window_bounds = array<i64: 128, 128>}, {pipeline_mode = #tpu.pipeline_mode<synchronous>, transform_indices = @transform_7, window_bounds = array<i64: 1, 128>}, {pipeline_mode = #tpu.pipeline_mode<synchronous>, transform_indices = @transform_8, window_bounds = array<i64: 64, 128>}]} {
    %get3A = arith.constant 0 : index
    %get3A_0 = arith.constant 0 : index
    %get3A_1 = arith.constant 0 : index
    %get3A_2 = vector.load %arg3[%get3A, %get3A_0, %get3A_1] : memref<2x2000x128xf32, #tpu.memory_space<vmem>>, vector<1x2000x128xf32>
    %get3A_3 = vector.shape_cast %get3A_2 : vector<1x2000x128xf32> to vector<2000x128xf32>
    %get3A_4 = arith.constant 1 : index
    %get3A_5 = arith.constant 0 : index
    %get3A_6 = arith.constant 0 : index
    %get3A_7 = vector.load %arg3[%get3A_4, %get3A_5, %get3A_6] : memref<2x2000x128xf32, #tpu.memory_space<vmem>>, vector<1x2000x128xf32>
    %get3A_8 = vector.shape_cast %get3A_7 : vector<1x2000x128xf32> to vector<2000x128xf32>
    %add3A = arith.addf %get3A_3, %get3A_8 : vector<2000x128xf32>
    %get3A_9 = arith.constant 0 : index
    %get3A_10 = arith.constant 0 : index
    %get3A_11 = vector.load %arg2[%get3A_9, %get3A_10] : memref<2000x128xf32, #tpu.memory_space<vmem>>, vector<2000x128xf32>
    %get3A_12 = arith.constant 0 : index
    %get3A_13 = arith.constant 0 : index
    %get3A_14 = vector.load %arg4[%get3A_12, %get3A_13] : memref<128x128xf32, #tpu.memory_space<vmem>>, vector<128x128xf32>
    %dot_general3A = arith.constant dense<0.000000e+00> : vector<2000x128xf32>
    %dot_general3A_15 = tpu.matmul %add3A, %get3A_14, %dot_general3A {dimension_numbers = #tpu.dot_dimension_numbers<[1], [0], [0], [1], [0, 0, 1, 1], [], []>, precision = #tpu.contract_precision<fp32>, transpose_lhs_hint = false} : vector<2000x128xf32>, vector<128x128xf32>, vector<2000x128xf32> -> vector<2000x128xf32>
    %add3A_16 = arith.addf %get3A_11, %dot_general3A_15 : vector<2000x128xf32>
    %max3A = arith.constant 0.000000e+00 : f32
    %max3A_17 = vector.broadcast %max3A : f32 to vector<2000x128xf32>
    %max3A_18 = arith.maximumf %add3A_16, %max3A_17 : vector<2000x128xf32>
    %get3A_19 = arith.constant 0 : index
    %get3A_20 = arith.constant 0 : index
    %get3A_21 = vector.load %arg5[%get3A_19, %get3A_20] : memref<128x128xf32, #tpu.memory_space<vmem>>, vector<128x128xf32>
    %dot_general3A_22 = arith.constant dense<0.000000e+00> : vector<2000x128xf32>
    %dot_general3A_23 = tpu.matmul %max3A_18, %get3A_21, %dot_general3A_22 {dimension_numbers = #tpu.dot_dimension_numbers<[1], [0], [0], [1], [0, 0, 1, 1], [], []>, precision = #tpu.contract_precision<fp32>, transpose_lhs_hint = false} : vector<2000x128xf32>, vector<128x128xf32>, vector<2000x128xf32> -> vector<2000x128xf32>
    %get3A_24 = arith.constant 0 : index
    %get3A_25 = arith.constant 0 : index
    %get3A_26 = vector.load %arg6[%get3A_24, %get3A_25] : memref<1x128xf32, #tpu.memory_space<vmem>>, vector<1x128xf32>
    %add3A_27 = vector.broadcast %get3A_26 : vector<1x128xf32> to vector<2000x128xf32>
    %add3A_28 = arith.addf %dot_general3A_23, %add3A_27 : vector<2000x128xf32>
    %max3A_29 = arith.constant 0.000000e+00 : f32
    %max3A_30 = vector.broadcast %max3A_29 : f32 to vector<2000x128xf32>
    %max3A_31 = arith.maximumf %add3A_28, %max3A_30 : vector<2000x128xf32>
    %get3A_32 = arith.constant 0 : index
    %get3A_33 = arith.constant 0 : index
    %get3A_34 = vector.load %arg7[%get3A_32, %get3A_33] : memref<128x128xf32, #tpu.memory_space<vmem>>, vector<128x128xf32>
    %dot_general3A_35 = arith.constant dense<0.000000e+00> : vector<2000x128xf32>
    %dot_general3A_36 = tpu.matmul %max3A_31, %get3A_34, %dot_general3A_35 {dimension_numbers = #tpu.dot_dimension_numbers<[1], [0], [0], [1], [0, 0, 1, 1], [], []>, precision = #tpu.contract_precision<fp32>, transpose_lhs_hint = false} : vector<2000x128xf32>, vector<128x128xf32>, vector<2000x128xf32> -> vector<2000x128xf32>
    %get3A_37 = arith.constant 0 : index
    %get3A_38 = arith.constant 0 : index
    %get3A_39 = vector.load %arg8[%get3A_37, %get3A_38] : memref<1x128xf32, #tpu.memory_space<vmem>>, vector<1x128xf32>
    %add3A_40 = vector.broadcast %get3A_39 : vector<1x128xf32> to vector<2000x128xf32>
    %add3A_41 = arith.addf %dot_general3A_36, %add3A_40 : vector<2000x128xf32>
    %get3A_42 = arith.constant 0 : index
    %get3A_43 = arith.constant 0 : index
    %get3A_44 = vector.load %arg1[%get3A_42, %get3A_43] : memref<2000x1xi32, #tpu.memory_space<vmem>>, vector<2000x1xi32>
    %iota3A = tpu.iota {dimensions = array<i32: 0>} : vector<64x1xi32>
    %broadcast_in_dim3A = arith.constant 0xFF800000 : f32
    %broadcast_in_dim3A_45 = vector.broadcast %broadcast_in_dim3A : f32 to vector<64x128xf32>
    %slice3A = vector.extract_strided_slice %get3A_44 {offsets = [0, 0], sizes = [250, 1], strides = [1, 1]} : vector<2000x1xi32> to vector<250x1xi32>
    %slice3A_46 = vector.extract_strided_slice %add3A_41 {offsets = [0, 0], sizes = [250, 128], strides = [1, 1]} : vector<2000x128xf32> to vector<250x128xf32>
    %reduce_min3A = vector.shape_cast %slice3A : vector<250x1xi32> to vector<1x250x1xi32>
    %reduce_min3A_47 = arith.constant dense<2147483647> : vector<1xi32>
    %reduce_min3A_48 = vector.multi_reduction <minsi>, %reduce_min3A, %reduce_min3A_47 [1, 2] : vector<1x250x1xi32> to vector<1xi32>
    %reduce_min3A_49 = vector.shape_cast %reduce_min3A_48 : vector<1xi32> to vector<1x1x1xi32>
    %reduce_min3A_50 = vector.extract %reduce_min3A_49[0, 0, 0] : i32 from vector<1x1x1xi32>
    %reduce_max3A = vector.shape_cast %slice3A : vector<250x1xi32> to vector<1x250x1xi32>
    %reduce_max3A_51 = arith.constant dense<-2147483648> : vector<1xi32>
    %reduce_max3A_52 = vector.multi_reduction <maxsi>, %reduce_max3A, %reduce_max3A_51 [1, 2] : vector<1x250x1xi32> to vector<1xi32>
    %reduce_max3A_53 = vector.shape_cast %reduce_max3A_52 : vector<1xi32> to vector<1x1x1xi32>
    %reduce_max3A_54 = vector.extract %reduce_max3A_53[0, 0, 0] : i32 from vector<1x1x1xi32>
    %add3A_55 = arith.constant 1 : i32
    %add3A_56 = arith.addi %reduce_max3A_54, %add3A_55 : i32
    %while3A = arith.subi %add3A_56, %reduce_min3A_50 : i32
    %while3A_57 = arith.addi %reduce_min3A_50, %while3A : i32
    %while3A_58 = arith.constant 1 : i32
    %while3A_59 = arith.divsi %while3A, %while3A_58 : i32
    %while3A_60 = arith.muli %while3A_59, %while3A_58 : i32
    %while3A_61 = arith.addi %reduce_min3A_50, %while3A_60 : i32
    %while3A_62 = arith.constant 1 : i32
    %while3A_63 = scf.for %while3A_242 = %reduce_min3A_50 to %while3A_61 step %while3A_62 iter_args(%while3A_243 = %broadcast_in_dim3A_45) -> (vector<64x128xf32>)  : i32 {
      %eq3A_244 = vector.broadcast %while3A_242 : i32 to vector<250x1xi32>
      %eq3A_245 = arith.cmpi eq, %slice3A, %eq3A_244 : vector<250x1xi32>
      %jit3A = arith.constant 0xFF800000 : f32
      %broadcast_in_dim3A_246 = vector.shape_cast %eq3A_245 : vector<250x1xi1> to vector<250x1xi1>
      %broadcast_in_dim3A_247 = vector.broadcast %broadcast_in_dim3A_246 : vector<250x1xi1> to vector<250x128xi1>
      %broadcast_in_dim3A_248 = vector.broadcast %jit3A : f32 to vector<250x128xf32>
      %select_n3A = arith.select %broadcast_in_dim3A_247, %slice3A_46, %broadcast_in_dim3A_248 : vector<250x128xi1>, vector<250x128xf32>
      %reduce_max3A_249 = arith.constant dense<0xFF800000> : vector<128xf32>
      %reduce_max3A_250 = vector.multi_reduction <maximumf>, %select_n3A, %reduce_max3A_249 [0] : vector<250x128xf32> to vector<128xf32>
      %broadcast_in_dim3A_251 = vector.shape_cast %reduce_max3A_250 : vector<128xf32> to vector<1x128xf32>
      %eq3A_252 = vector.broadcast %while3A_242 : i32 to vector<64x1xi32>
      %eq3A_253 = arith.cmpi eq, %iota3A, %eq3A_252 : vector<64x1xi32>
      %max3A_254 = vector.broadcast %broadcast_in_dim3A_251 : vector<1x128xf32> to vector<64x128xf32>
      %max3A_255 = arith.maximumf %while3A_243, %max3A_254 : vector<64x128xf32>
      %broadcast_in_dim3A_256 = vector.shape_cast %eq3A_253 : vector<64x1xi1> to vector<64x1xi1>
      %broadcast_in_dim3A_257 = vector.broadcast %broadcast_in_dim3A_256 : vector<64x1xi1> to vector<64x128xi1>
      %select_n3A_258 = arith.select %broadcast_in_dim3A_257, %max3A_255, %while3A_243 : vector<64x128xi1>, vector<64x128xf32>
      scf.yield %select_n3A_258 : vector<64x128xf32>
    }
    %while3A_64 = arith.constant 1 : i32
    %while3A_65 = scf.for %while3A_242 = %while3A_61 to %while3A_57 step %while3A_64 iter_args(%while3A_243 = %while3A_63) -> (vector<64x128xf32>)  : i32 {
      %eq3A_244 = vector.broadcast %while3A_242 : i32 to vector<250x1xi32>
      %eq3A_245 = arith.cmpi eq, %slice3A, %eq3A_244 : vector<250x1xi32>
      %jit3A = arith.constant 0xFF800000 : f32
      %broadcast_in_dim3A_246 = vector.shape_cast %eq3A_245 : vector<250x1xi1> to vector<250x1xi1>
      %broadcast_in_dim3A_247 = vector.broadcast %broadcast_in_dim3A_246 : vector<250x1xi1> to vector<250x128xi1>
      %broadcast_in_dim3A_248 = vector.broadcast %jit3A : f32 to vector<250x128xf32>
      %select_n3A = arith.select %broadcast_in_dim3A_247, %slice3A_46, %broadcast_in_dim3A_248 : vector<250x128xi1>, vector<250x128xf32>
      %reduce_max3A_249 = arith.constant dense<0xFF800000> : vector<128xf32>
      %reduce_max3A_250 = vector.multi_reduction <maximumf>, %select_n3A, %reduce_max3A_249 [0] : vector<250x128xf32> to vector<128xf32>
      %broadcast_in_dim3A_251 = vector.shape_cast %reduce_max3A_250 : vector<128xf32> to vector<1x128xf32>
      %eq3A_252 = vector.broadcast %while3A_242 : i32 to vector<64x1xi32>
      %eq3A_253 = arith.cmpi eq, %iota3A, %eq3A_252 : vector<64x1xi32>
      %max3A_254 = vector.broadcast %broadcast_in_dim3A_251 : vector<1x128xf32> to vector<64x128xf32>
      %max3A_255 = arith.maximumf %while3A_243, %max3A_254 : vector<64x128xf32>
      %broadcast_in_dim3A_256 = vector.shape_cast %eq3A_253 : vector<64x1xi1> to vector<64x1xi1>
      %broadcast_in_dim3A_257 = vector.broadcast %broadcast_in_dim3A_256 : vector<64x1xi1> to vector<64x128xi1>
      %select_n3A_258 = arith.select %broadcast_in_dim3A_257, %max3A_255, %while3A_243 : vector<64x128xi1>, vector<64x128xf32>
      scf.yield %select_n3A_258 : vector<64x128xf32>
    }
    %slice3A_66 = vector.extract_strided_slice %get3A_44 {offsets = [250, 0], sizes = [250, 1], strides = [1, 1]} : vector<2000x1xi32> to vector<250x1xi32>
    %slice3A_67 = vector.extract_strided_slice %add3A_41 {offsets = [250, 0], sizes = [250, 128], strides = [1, 1]} : vector<2000x128xf32> to vector<250x128xf32>
    %reduce_min3A_68 = vector.shape_cast %slice3A_66 : vector<250x1xi32> to vector<1x250x1xi32>
    %reduce_min3A_69 = arith.constant dense<2147483647> : vector<1xi32>
    %reduce_min3A_70 = vector.multi_reduction <minsi>, %reduce_min3A_68, %reduce_min3A_69 [1, 2] : vector<1x250x1xi32> to vector<1xi32>
    %reduce_min3A_71 = vector.shape_cast %reduce_min3A_70 : vector<1xi32> to vector<1x1x1xi32>
    %reduce_min3A_72 = vector.extract %reduce_min3A_71[0, 0, 0] : i32 from vector<1x1x1xi32>
    %reduce_max3A_73 = vector.shape_cast %slice3A_66 : vector<250x1xi32> to vector<1x250x1xi32>
    %reduce_max3A_74 = arith.constant dense<-2147483648> : vector<1xi32>
    %reduce_max3A_75 = vector.multi_reduction <maxsi>, %reduce_max3A_73, %reduce_max3A_74 [1, 2] : vector<1x250x1xi32> to vector<1xi32>
    %reduce_max3A_76 = vector.shape_cast %reduce_max3A_75 : vector<1xi32> to vector<1x1x1xi32>
    %reduce_max3A_77 = vector.extract %reduce_max3A_76[0, 0, 0] : i32 from vector<1x1x1xi32>
    %add3A_78 = arith.constant 1 : i32
    %add3A_79 = arith.addi %reduce_max3A_77, %add3A_78 : i32
    %while3A_80 = arith.subi %add3A_79, %reduce_min3A_72 : i32
    %while3A_81 = arith.addi %reduce_min3A_72, %while3A_80 : i32
    %while3A_82 = arith.constant 1 : i32
    %while3A_83 = arith.divsi %while3A_80, %while3A_82 : i32
    %while3A_84 = arith.muli %while3A_83, %while3A_82 : i32
    %while3A_85 = arith.addi %reduce_min3A_72, %while3A_84 : i32
    %while3A_86 = arith.constant 1 : i32
    %while3A_87 = scf.for %while3A_242 = %reduce_min3A_72 to %while3A_85 step %while3A_86 iter_args(%while3A_243 = %while3A_65) -> (vector<64x128xf32>)  : i32 {
      %eq3A_244 = vector.broadcast %while3A_242 : i32 to vector<250x1xi32>
      %eq3A_245 = arith.cmpi eq, %slice3A_66, %eq3A_244 : vector<250x1xi32>
      %jit3A = arith.constant 0xFF800000 : f32
      %broadcast_in_dim3A_246 = vector.shape_cast %eq3A_245 : vector<250x1xi1> to vector<250x1xi1>
      %broadcast_in_dim3A_247 = vector.broadcast %broadcast_in_dim3A_246 : vector<250x1xi1> to vector<250x128xi1>
      %broadcast_in_dim3A_248 = vector.broadcast %jit3A : f32 to vector<250x128xf32>
      %select_n3A = arith.select %broadcast_in_dim3A_247, %slice3A_67, %broadcast_in_dim3A_248 : vector<250x128xi1>, vector<250x128xf32>
      %reduce_max3A_249 = arith.constant dense<0xFF800000> : vector<128xf32>
      %reduce_max3A_250 = vector.multi_reduction <maximumf>, %select_n3A, %reduce_max3A_249 [0] : vector<250x128xf32> to vector<128xf32>
      %broadcast_in_dim3A_251 = vector.shape_cast %reduce_max3A_250 : vector<128xf32> to vector<1x128xf32>
      %eq3A_252 = vector.broadcast %while3A_242 : i32 to vector<64x1xi32>
      %eq3A_253 = arith.cmpi eq, %iota3A, %eq3A_252 : vector<64x1xi32>
      %max3A_254 = vector.broadcast %broadcast_in_dim3A_251 : vector<1x128xf32> to vector<64x128xf32>
      %max3A_255 = arith.maximumf %while3A_243, %max3A_254 : vector<64x128xf32>
      %broadcast_in_dim3A_256 = vector.shape_cast %eq3A_253 : vector<64x1xi1> to vector<64x1xi1>
      %broadcast_in_dim3A_257 = vector.broadcast %broadcast_in_dim3A_256 : vector<64x1xi1> to vector<64x128xi1>
      %select_n3A_258 = arith.select %broadcast_in_dim3A_257, %max3A_255, %while3A_243 : vector<64x128xi1>, vector<64x128xf32>
      scf.yield %select_n3A_258 : vector<64x128xf32>
    }
    %while3A_88 = arith.constant 1 : i32
    %while3A_89 = scf.for %while3A_242 = %while3A_85 to %while3A_81 step %while3A_88 iter_args(%while3A_243 = %while3A_87) -> (vector<64x128xf32>)  : i32 {
      %eq3A_244 = vector.broadcast %while3A_242 : i32 to vector<250x1xi32>
      %eq3A_245 = arith.cmpi eq, %slice3A_66, %eq3A_244 : vector<250x1xi32>
      %jit3A = arith.constant 0xFF800000 : f32
      %broadcast_in_dim3A_246 = vector.shape_cast %eq3A_245 : vector<250x1xi1> to vector<250x1xi1>
      %broadcast_in_dim3A_247 = vector.broadcast %broadcast_in_dim3A_246 : vector<250x1xi1> to vector<250x128xi1>
      %broadcast_in_dim3A_248 = vector.broadcast %jit3A : f32 to vector<250x128xf32>
      %select_n3A = arith.select %broadcast_in_dim3A_247, %slice3A_67, %broadcast_in_dim3A_248 : vector<250x128xi1>, vector<250x128xf32>
      %reduce_max3A_249 = arith.constant dense<0xFF800000> : vector<128xf32>
      %reduce_max3A_250 = vector.multi_reduction <maximumf>, %select_n3A, %reduce_max3A_249 [0] : vector<250x128xf32> to vector<128xf32>
      %broadcast_in_dim3A_251 = vector.shape_cast %reduce_max3A_250 : vector<128xf32> to vector<1x128xf32>
      %eq3A_252 = vector.broadcast %while3A_242 : i32 to vector<64x1xi32>
      %eq3A_253 = arith.cmpi eq, %iota3A, %eq3A_252 : vector<64x1xi32>
      %max3A_254 = vector.broadcast %broadcast_in_dim3A_251 : vector<1x128xf32> to vector<64x128xf32>
      %max3A_255 = arith.maximumf %while3A_243, %max3A_254 : vector<64x128xf32>
      %broadcast_in_dim3A_256 = vector.shape_cast %eq3A_253 : vector<64x1xi1> to vector<64x1xi1>
      %broadcast_in_dim3A_257 = vector.broadcast %broadcast_in_dim3A_256 : vector<64x1xi1> to vector<64x128xi1>
      %select_n3A_258 = arith.select %broadcast_in_dim3A_257, %max3A_255, %while3A_243 : vector<64x128xi1>, vector<64x128xf32>
      scf.yield %select_n3A_258 : vector<64x128xf32>
    }
    %slice3A_90 = vector.extract_strided_slice %get3A_44 {offsets = [500, 0], sizes = [250, 1], strides = [1, 1]} : vector<2000x1xi32> to vector<250x1xi32>
    %slice3A_91 = vector.extract_strided_slice %add3A_41 {offsets = [500, 0], sizes = [250, 128], strides = [1, 1]} : vector<2000x128xf32> to vector<250x128xf32>
    %reduce_min3A_92 = vector.shape_cast %slice3A_90 : vector<250x1xi32> to vector<1x250x1xi32>
    %reduce_min3A_93 = arith.constant dense<2147483647> : vector<1xi32>
    %reduce_min3A_94 = vector.multi_reduction <minsi>, %reduce_min3A_92, %reduce_min3A_93 [1, 2] : vector<1x250x1xi32> to vector<1xi32>
    %reduce_min3A_95 = vector.shape_cast %reduce_min3A_94 : vector<1xi32> to vector<1x1x1xi32>
    %reduce_min3A_96 = vector.extract %reduce_min3A_95[0, 0, 0] : i32 from vector<1x1x1xi32>
    %reduce_max3A_97 = vector.shape_cast %slice3A_90 : vector<250x1xi32> to vector<1x250x1xi32>
    %reduce_max3A_98 = arith.constant dense<-2147483648> : vector<1xi32>
    %reduce_max3A_99 = vector.multi_reduction <maxsi>, %reduce_max3A_97, %reduce_max3A_98 [1, 2] : vector<1x250x1xi32> to vector<1xi32>
    %reduce_max3A_100 = vector.shape_cast %reduce_max3A_99 : vector<1xi32> to vector<1x1x1xi32>
    %reduce_max3A_101 = vector.extract %reduce_max3A_100[0, 0, 0] : i32 from vector<1x1x1xi32>
    %add3A_102 = arith.constant 1 : i32
    %add3A_103 = arith.addi %reduce_max3A_101, %add3A_102 : i32
    %while3A_104 = arith.subi %add3A_103, %reduce_min3A_96 : i32
    %while3A_105 = arith.addi %reduce_min3A_96, %while3A_104 : i32
    %while3A_106 = arith.constant 1 : i32
    %while3A_107 = arith.divsi %while3A_104, %while3A_106 : i32
    %while3A_108 = arith.muli %while3A_107, %while3A_106 : i32
    %while3A_109 = arith.addi %reduce_min3A_96, %while3A_108 : i32
    %while3A_110 = arith.constant 1 : i32
    %while3A_111 = scf.for %while3A_242 = %reduce_min3A_96 to %while3A_109 step %while3A_110 iter_args(%while3A_243 = %while3A_89) -> (vector<64x128xf32>)  : i32 {
      %eq3A_244 = vector.broadcast %while3A_242 : i32 to vector<250x1xi32>
      %eq3A_245 = arith.cmpi eq, %slice3A_90, %eq3A_244 : vector<250x1xi32>
      %jit3A = arith.constant 0xFF800000 : f32
      %broadcast_in_dim3A_246 = vector.shape_cast %eq3A_245 : vector<250x1xi1> to vector<250x1xi1>
      %broadcast_in_dim3A_247 = vector.broadcast %broadcast_in_dim3A_246 : vector<250x1xi1> to vector<250x128xi1>
      %broadcast_in_dim3A_248 = vector.broadcast %jit3A : f32 to vector<250x128xf32>
      %select_n3A = arith.select %broadcast_in_dim3A_247, %slice3A_91, %broadcast_in_dim3A_248 : vector<250x128xi1>, vector<250x128xf32>
      %reduce_max3A_249 = arith.constant dense<0xFF800000> : vector<128xf32>
      %reduce_max3A_250 = vector.multi_reduction <maximumf>, %select_n3A, %reduce_max3A_249 [0] : vector<250x128xf32> to vector<128xf32>
      %broadcast_in_dim3A_251 = vector.shape_cast %reduce_max3A_250 : vector<128xf32> to vector<1x128xf32>
      %eq3A_252 = vector.broadcast %while3A_242 : i32 to vector<64x1xi32>
      %eq3A_253 = arith.cmpi eq, %iota3A, %eq3A_252 : vector<64x1xi32>
      %max3A_254 = vector.broadcast %broadcast_in_dim3A_251 : vector<1x128xf32> to vector<64x128xf32>
      %max3A_255 = arith.maximumf %while3A_243, %max3A_254 : vector<64x128xf32>
      %broadcast_in_dim3A_256 = vector.shape_cast %eq3A_253 : vector<64x1xi1> to vector<64x1xi1>
      %broadcast_in_dim3A_257 = vector.broadcast %broadcast_in_dim3A_256 : vector<64x1xi1> to vector<64x128xi1>
      %select_n3A_258 = arith.select %broadcast_in_dim3A_257, %max3A_255, %while3A_243 : vector<64x128xi1>, vector<64x128xf32>
      scf.yield %select_n3A_258 : vector<64x128xf32>
    }
    %while3A_112 = arith.constant 1 : i32
    %while3A_113 = scf.for %while3A_242 = %while3A_109 to %while3A_105 step %while3A_112 iter_args(%while3A_243 = %while3A_111) -> (vector<64x128xf32>)  : i32 {
      %eq3A_244 = vector.broadcast %while3A_242 : i32 to vector<250x1xi32>
      %eq3A_245 = arith.cmpi eq, %slice3A_90, %eq3A_244 : vector<250x1xi32>
      %jit3A = arith.constant 0xFF800000 : f32
      %broadcast_in_dim3A_246 = vector.shape_cast %eq3A_245 : vector<250x1xi1> to vector<250x1xi1>
      %broadcast_in_dim3A_247 = vector.broadcast %broadcast_in_dim3A_246 : vector<250x1xi1> to vector<250x128xi1>
      %broadcast_in_dim3A_248 = vector.broadcast %jit3A : f32 to vector<250x128xf32>
      %select_n3A = arith.select %broadcast_in_dim3A_247, %slice3A_91, %broadcast_in_dim3A_248 : vector<250x128xi1>, vector<250x128xf32>
      %reduce_max3A_249 = arith.constant dense<0xFF800000> : vector<128xf32>
      %reduce_max3A_250 = vector.multi_reduction <maximumf>, %select_n3A, %reduce_max3A_249 [0] : vector<250x128xf32> to vector<128xf32>
      %broadcast_in_dim3A_251 = vector.shape_cast %reduce_max3A_250 : vector<128xf32> to vector<1x128xf32>
      %eq3A_252 = vector.broadcast %while3A_242 : i32 to vector<64x1xi32>
      %eq3A_253 = arith.cmpi eq, %iota3A, %eq3A_252 : vector<64x1xi32>
      %max3A_254 = vector.broadcast %broadcast_in_dim3A_251 : vector<1x128xf32> to vector<64x128xf32>
      %max3A_255 = arith.maximumf %while3A_243, %max3A_254 : vector<64x128xf32>
      %broadcast_in_dim3A_256 = vector.shape_cast %eq3A_253 : vector<64x1xi1> to vector<64x1xi1>
      %broadcast_in_dim3A_257 = vector.broadcast %broadcast_in_dim3A_256 : vector<64x1xi1> to vector<64x128xi1>
      %select_n3A_258 = arith.select %broadcast_in_dim3A_257, %max3A_255, %while3A_243 : vector<64x128xi1>, vector<64x128xf32>
      scf.yield %select_n3A_258 : vector<64x128xf32>
    }
    %slice3A_114 = vector.extract_strided_slice %get3A_44 {offsets = [750, 0], sizes = [250, 1], strides = [1, 1]} : vector<2000x1xi32> to vector<250x1xi32>
    %slice3A_115 = vector.extract_strided_slice %add3A_41 {offsets = [750, 0], sizes = [250, 128], strides = [1, 1]} : vector<2000x128xf32> to vector<250x128xf32>
    %reduce_min3A_116 = vector.shape_cast %slice3A_114 : vector<250x1xi32> to vector<1x250x1xi32>
    %reduce_min3A_117 = arith.constant dense<2147483647> : vector<1xi32>
    %reduce_min3A_118 = vector.multi_reduction <minsi>, %reduce_min3A_116, %reduce_min3A_117 [1, 2] : vector<1x250x1xi32> to vector<1xi32>
    %reduce_min3A_119 = vector.shape_cast %reduce_min3A_118 : vector<1xi32> to vector<1x1x1xi32>
    %reduce_min3A_120 = vector.extract %reduce_min3A_119[0, 0, 0] : i32 from vector<1x1x1xi32>
    %reduce_max3A_121 = vector.shape_cast %slice3A_114 : vector<250x1xi32> to vector<1x250x1xi32>
    %reduce_max3A_122 = arith.constant dense<-2147483648> : vector<1xi32>
    %reduce_max3A_123 = vector.multi_reduction <maxsi>, %reduce_max3A_121, %reduce_max3A_122 [1, 2] : vector<1x250x1xi32> to vector<1xi32>
    %reduce_max3A_124 = vector.shape_cast %reduce_max3A_123 : vector<1xi32> to vector<1x1x1xi32>
    %reduce_max3A_125 = vector.extract %reduce_max3A_124[0, 0, 0] : i32 from vector<1x1x1xi32>
    %add3A_126 = arith.constant 1 : i32
    %add3A_127 = arith.addi %reduce_max3A_125, %add3A_126 : i32
    %while3A_128 = arith.subi %add3A_127, %reduce_min3A_120 : i32
    %while3A_129 = arith.addi %reduce_min3A_120, %while3A_128 : i32
    %while3A_130 = arith.constant 1 : i32
    %while3A_131 = arith.divsi %while3A_128, %while3A_130 : i32
    %while3A_132 = arith.muli %while3A_131, %while3A_130 : i32
    %while3A_133 = arith.addi %reduce_min3A_120, %while3A_132 : i32
    %while3A_134 = arith.constant 1 : i32
    %while3A_135 = scf.for %while3A_242 = %reduce_min3A_120 to %while3A_133 step %while3A_134 iter_args(%while3A_243 = %while3A_113) -> (vector<64x128xf32>)  : i32 {
      %eq3A_244 = vector.broadcast %while3A_242 : i32 to vector<250x1xi32>
      %eq3A_245 = arith.cmpi eq, %slice3A_114, %eq3A_244 : vector<250x1xi32>
      %jit3A = arith.constant 0xFF800000 : f32
      %broadcast_in_dim3A_246 = vector.shape_cast %eq3A_245 : vector<250x1xi1> to vector<250x1xi1>
      %broadcast_in_dim3A_247 = vector.broadcast %broadcast_in_dim3A_246 : vector<250x1xi1> to vector<250x128xi1>
      %broadcast_in_dim3A_248 = vector.broadcast %jit3A : f32 to vector<250x128xf32>
      %select_n3A = arith.select %broadcast_in_dim3A_247, %slice3A_115, %broadcast_in_dim3A_248 : vector<250x128xi1>, vector<250x128xf32>
      %reduce_max3A_249 = arith.constant dense<0xFF800000> : vector<128xf32>
      %reduce_max3A_250 = vector.multi_reduction <maximumf>, %select_n3A, %reduce_max3A_249 [0] : vector<250x128xf32> to vector<128xf32>
      %broadcast_in_dim3A_251 = vector.shape_cast %reduce_max3A_250 : vector<128xf32> to vector<1x128xf32>
      %eq3A_252 = vector.broadcast %while3A_242 : i32 to vector<64x1xi32>
      %eq3A_253 = arith.cmpi eq, %iota3A, %eq3A_252 : vector<64x1xi32>
      %max3A_254 = vector.broadcast %broadcast_in_dim3A_251 : vector<1x128xf32> to vector<64x128xf32>
      %max3A_255 = arith.maximumf %while3A_243, %max3A_254 : vector<64x128xf32>
      %broadcast_in_dim3A_256 = vector.shape_cast %eq3A_253 : vector<64x1xi1> to vector<64x1xi1>
      %broadcast_in_dim3A_257 = vector.broadcast %broadcast_in_dim3A_256 : vector<64x1xi1> to vector<64x128xi1>
      %select_n3A_258 = arith.select %broadcast_in_dim3A_257, %max3A_255, %while3A_243 : vector<64x128xi1>, vector<64x128xf32>
      scf.yield %select_n3A_258 : vector<64x128xf32>
    }
    %while3A_136 = arith.constant 1 : i32
    %while3A_137 = scf.for %while3A_242 = %while3A_133 to %while3A_129 step %while3A_136 iter_args(%while3A_243 = %while3A_135) -> (vector<64x128xf32>)  : i32 {
      %eq3A_244 = vector.broadcast %while3A_242 : i32 to vector<250x1xi32>
      %eq3A_245 = arith.cmpi eq, %slice3A_114, %eq3A_244 : vector<250x1xi32>
      %jit3A = arith.constant 0xFF800000 : f32
      %broadcast_in_dim3A_246 = vector.shape_cast %eq3A_245 : vector<250x1xi1> to vector<250x1xi1>
      %broadcast_in_dim3A_247 = vector.broadcast %broadcast_in_dim3A_246 : vector<250x1xi1> to vector<250x128xi1>
      %broadcast_in_dim3A_248 = vector.broadcast %jit3A : f32 to vector<250x128xf32>
      %select_n3A = arith.select %broadcast_in_dim3A_247, %slice3A_115, %broadcast_in_dim3A_248 : vector<250x128xi1>, vector<250x128xf32>
      %reduce_max3A_249 = arith.constant dense<0xFF800000> : vector<128xf32>
      %reduce_max3A_250 = vector.multi_reduction <maximumf>, %select_n3A, %reduce_max3A_249 [0] : vector<250x128xf32> to vector<128xf32>
      %broadcast_in_dim3A_251 = vector.shape_cast %reduce_max3A_250 : vector<128xf32> to vector<1x128xf32>
      %eq3A_252 = vector.broadcast %while3A_242 : i32 to vector<64x1xi32>
      %eq3A_253 = arith.cmpi eq, %iota3A, %eq3A_252 : vector<64x1xi32>
      %max3A_254 = vector.broadcast %broadcast_in_dim3A_251 : vector<1x128xf32> to vector<64x128xf32>
      %max3A_255 = arith.maximumf %while3A_243, %max3A_254 : vector<64x128xf32>
      %broadcast_in_dim3A_256 = vector.shape_cast %eq3A_253 : vector<64x1xi1> to vector<64x1xi1>
      %broadcast_in_dim3A_257 = vector.broadcast %broadcast_in_dim3A_256 : vector<64x1xi1> to vector<64x128xi1>
      %select_n3A_258 = arith.select %broadcast_in_dim3A_257, %max3A_255, %while3A_243 : vector<64x128xi1>, vector<64x128xf32>
      scf.yield %select_n3A_258 : vector<64x128xf32>
    }
    %slice3A_138 = vector.extract_strided_slice %get3A_44 {offsets = [1000, 0], sizes = [250, 1], strides = [1, 1]} : vector<2000x1xi32> to vector<250x1xi32>
    %slice3A_139 = vector.extract_strided_slice %add3A_41 {offsets = [1000, 0], sizes = [250, 128], strides = [1, 1]} : vector<2000x128xf32> to vector<250x128xf32>
    %reduce_min3A_140 = vector.shape_cast %slice3A_138 : vector<250x1xi32> to vector<1x250x1xi32>
    %reduce_min3A_141 = arith.constant dense<2147483647> : vector<1xi32>
    %reduce_min3A_142 = vector.multi_reduction <minsi>, %reduce_min3A_140, %reduce_min3A_141 [1, 2] : vector<1x250x1xi32> to vector<1xi32>
    %reduce_min3A_143 = vector.shape_cast %reduce_min3A_142 : vector<1xi32> to vector<1x1x1xi32>
    %reduce_min3A_144 = vector.extract %reduce_min3A_143[0, 0, 0] : i32 from vector<1x1x1xi32>
    %reduce_max3A_145 = vector.shape_cast %slice3A_138 : vector<250x1xi32> to vector<1x250x1xi32>
    %reduce_max3A_146 = arith.constant dense<-2147483648> : vector<1xi32>
    %reduce_max3A_147 = vector.multi_reduction <maxsi>, %reduce_max3A_145, %reduce_max3A_146 [1, 2] : vector<1x250x1xi32> to vector<1xi32>
    %reduce_max3A_148 = vector.shape_cast %reduce_max3A_147 : vector<1xi32> to vector<1x1x1xi32>
    %reduce_max3A_149 = vector.extract %reduce_max3A_148[0, 0, 0] : i32 from vector<1x1x1xi32>
    %add3A_150 = arith.constant 1 : i32
    %add3A_151 = arith.addi %reduce_max3A_149, %add3A_150 : i32
    %while3A_152 = arith.subi %add3A_151, %reduce_min3A_144 : i32
    %while3A_153 = arith.addi %reduce_min3A_144, %while3A_152 : i32
    %while3A_154 = arith.constant 1 : i32
    %while3A_155 = arith.divsi %while3A_152, %while3A_154 : i32
    %while3A_156 = arith.muli %while3A_155, %while3A_154 : i32
    %while3A_157 = arith.addi %reduce_min3A_144, %while3A_156 : i32
    %while3A_158 = arith.constant 1 : i32
    %while3A_159 = scf.for %while3A_242 = %reduce_min3A_144 to %while3A_157 step %while3A_158 iter_args(%while3A_243 = %while3A_137) -> (vector<64x128xf32>)  : i32 {
      %eq3A_244 = vector.broadcast %while3A_242 : i32 to vector<250x1xi32>
      %eq3A_245 = arith.cmpi eq, %slice3A_138, %eq3A_244 : vector<250x1xi32>
      %jit3A = arith.constant 0xFF800000 : f32
      %broadcast_in_dim3A_246 = vector.shape_cast %eq3A_245 : vector<250x1xi1> to vector<250x1xi1>
      %broadcast_in_dim3A_247 = vector.broadcast %broadcast_in_dim3A_246 : vector<250x1xi1> to vector<250x128xi1>
      %broadcast_in_dim3A_248 = vector.broadcast %jit3A : f32 to vector<250x128xf32>
      %select_n3A = arith.select %broadcast_in_dim3A_247, %slice3A_139, %broadcast_in_dim3A_248 : vector<250x128xi1>, vector<250x128xf32>
      %reduce_max3A_249 = arith.constant dense<0xFF800000> : vector<128xf32>
      %reduce_max3A_250 = vector.multi_reduction <maximumf>, %select_n3A, %reduce_max3A_249 [0] : vector<250x128xf32> to vector<128xf32>
      %broadcast_in_dim3A_251 = vector.shape_cast %reduce_max3A_250 : vector<128xf32> to vector<1x128xf32>
      %eq3A_252 = vector.broadcast %while3A_242 : i32 to vector<64x1xi32>
      %eq3A_253 = arith.cmpi eq, %iota3A, %eq3A_252 : vector<64x1xi32>
      %max3A_254 = vector.broadcast %broadcast_in_dim3A_251 : vector<1x128xf32> to vector<64x128xf32>
      %max3A_255 = arith.maximumf %while3A_243, %max3A_254 : vector<64x128xf32>
      %broadcast_in_dim3A_256 = vector.shape_cast %eq3A_253 : vector<64x1xi1> to vector<64x1xi1>
      %broadcast_in_dim3A_257 = vector.broadcast %broadcast_in_dim3A_256 : vector<64x1xi1> to vector<64x128xi1>
      %select_n3A_258 = arith.select %broadcast_in_dim3A_257, %max3A_255, %while3A_243 : vector<64x128xi1>, vector<64x128xf32>
      scf.yield %select_n3A_258 : vector<64x128xf32>
    }
    %while3A_160 = arith.constant 1 : i32
    %while3A_161 = scf.for %while3A_242 = %while3A_157 to %while3A_153 step %while3A_160 iter_args(%while3A_243 = %while3A_159) -> (vector<64x128xf32>)  : i32 {
      %eq3A_244 = vector.broadcast %while3A_242 : i32 to vector<250x1xi32>
      %eq3A_245 = arith.cmpi eq, %slice3A_138, %eq3A_244 : vector<250x1xi32>
      %jit3A = arith.constant 0xFF800000 : f32
      %broadcast_in_dim3A_246 = vector.shape_cast %eq3A_245 : vector<250x1xi1> to vector<250x1xi1>
      %broadcast_in_dim3A_247 = vector.broadcast %broadcast_in_dim3A_246 : vector<250x1xi1> to vector<250x128xi1>
      %broadcast_in_dim3A_248 = vector.broadcast %jit3A : f32 to vector<250x128xf32>
      %select_n3A = arith.select %broadcast_in_dim3A_247, %slice3A_139, %broadcast_in_dim3A_248 : vector<250x128xi1>, vector<250x128xf32>
      %reduce_max3A_249 = arith.constant dense<0xFF800000> : vector<128xf32>
      %reduce_max3A_250 = vector.multi_reduction <maximumf>, %select_n3A, %reduce_max3A_249 [0] : vector<250x128xf32> to vector<128xf32>
      %broadcast_in_dim3A_251 = vector.shape_cast %reduce_max3A_250 : vector<128xf32> to vector<1x128xf32>
      %eq3A_252 = vector.broadcast %while3A_242 : i32 to vector<64x1xi32>
      %eq3A_253 = arith.cmpi eq, %iota3A, %eq3A_252 : vector<64x1xi32>
      %max3A_254 = vector.broadcast %broadcast_in_dim3A_251 : vector<1x128xf32> to vector<64x128xf32>
      %max3A_255 = arith.maximumf %while3A_243, %max3A_254 : vector<64x128xf32>
      %broadcast_in_dim3A_256 = vector.shape_cast %eq3A_253 : vector<64x1xi1> to vector<64x1xi1>
      %broadcast_in_dim3A_257 = vector.broadcast %broadcast_in_dim3A_256 : vector<64x1xi1> to vector<64x128xi1>
      %select_n3A_258 = arith.select %broadcast_in_dim3A_257, %max3A_255, %while3A_243 : vector<64x128xi1>, vector<64x128xf32>
      scf.yield %select_n3A_258 : vector<64x128xf32>
    }
    %slice3A_162 = vector.extract_strided_slice %get3A_44 {offsets = [1250, 0], sizes = [250, 1], strides = [1, 1]} : vector<2000x1xi32> to vector<250x1xi32>
    %slice3A_163 = vector.extract_strided_slice %add3A_41 {offsets = [1250, 0], sizes = [250, 128], strides = [1, 1]} : vector<2000x128xf32> to vector<250x128xf32>
    %reduce_min3A_164 = vector.shape_cast %slice3A_162 : vector<250x1xi32> to vector<1x250x1xi32>
    %reduce_min3A_165 = arith.constant dense<2147483647> : vector<1xi32>
    %reduce_min3A_166 = vector.multi_reduction <minsi>, %reduce_min3A_164, %reduce_min3A_165 [1, 2] : vector<1x250x1xi32> to vector<1xi32>
    %reduce_min3A_167 = vector.shape_cast %reduce_min3A_166 : vector<1xi32> to vector<1x1x1xi32>
    %reduce_min3A_168 = vector.extract %reduce_min3A_167[0, 0, 0] : i32 from vector<1x1x1xi32>
    %reduce_max3A_169 = vector.shape_cast %slice3A_162 : vector<250x1xi32> to vector<1x250x1xi32>
    %reduce_max3A_170 = arith.constant dense<-2147483648> : vector<1xi32>
    %reduce_max3A_171 = vector.multi_reduction <maxsi>, %reduce_max3A_169, %reduce_max3A_170 [1, 2] : vector<1x250x1xi32> to vector<1xi32>
    %reduce_max3A_172 = vector.shape_cast %reduce_max3A_171 : vector<1xi32> to vector<1x1x1xi32>
    %reduce_max3A_173 = vector.extract %reduce_max3A_172[0, 0, 0] : i32 from vector<1x1x1xi32>
    %add3A_174 = arith.constant 1 : i32
    %add3A_175 = arith.addi %reduce_max3A_173, %add3A_174 : i32
    %while3A_176 = arith.subi %add3A_175, %reduce_min3A_168 : i32
    %while3A_177 = arith.addi %reduce_min3A_168, %while3A_176 : i32
    %while3A_178 = arith.constant 1 : i32
    %while3A_179 = arith.divsi %while3A_176, %while3A_178 : i32
    %while3A_180 = arith.muli %while3A_179, %while3A_178 : i32
    %while3A_181 = arith.addi %reduce_min3A_168, %while3A_180 : i32
    %while3A_182 = arith.constant 1 : i32
    %while3A_183 = scf.for %while3A_242 = %reduce_min3A_168 to %while3A_181 step %while3A_182 iter_args(%while3A_243 = %while3A_161) -> (vector<64x128xf32>)  : i32 {
      %eq3A_244 = vector.broadcast %while3A_242 : i32 to vector<250x1xi32>
      %eq3A_245 = arith.cmpi eq, %slice3A_162, %eq3A_244 : vector<250x1xi32>
      %jit3A = arith.constant 0xFF800000 : f32
      %broadcast_in_dim3A_246 = vector.shape_cast %eq3A_245 : vector<250x1xi1> to vector<250x1xi1>
      %broadcast_in_dim3A_247 = vector.broadcast %broadcast_in_dim3A_246 : vector<250x1xi1> to vector<250x128xi1>
      %broadcast_in_dim3A_248 = vector.broadcast %jit3A : f32 to vector<250x128xf32>
      %select_n3A = arith.select %broadcast_in_dim3A_247, %slice3A_163, %broadcast_in_dim3A_248 : vector<250x128xi1>, vector<250x128xf32>
      %reduce_max3A_249 = arith.constant dense<0xFF800000> : vector<128xf32>
      %reduce_max3A_250 = vector.multi_reduction <maximumf>, %select_n3A, %reduce_max3A_249 [0] : vector<250x128xf32> to vector<128xf32>
      %broadcast_in_dim3A_251 = vector.shape_cast %reduce_max3A_250 : vector<128xf32> to vector<1x128xf32>
      %eq3A_252 = vector.broadcast %while3A_242 : i32 to vector<64x1xi32>
      %eq3A_253 = arith.cmpi eq, %iota3A, %eq3A_252 : vector<64x1xi32>
      %max3A_254 = vector.broadcast %broadcast_in_dim3A_251 : vector<1x128xf32> to vector<64x128xf32>
      %max3A_255 = arith.maximumf %while3A_243, %max3A_254 : vector<64x128xf32>
      %broadcast_in_dim3A_256 = vector.shape_cast %eq3A_253 : vector<64x1xi1> to vector<64x1xi1>
      %broadcast_in_dim3A_257 = vector.broadcast %broadcast_in_dim3A_256 : vector<64x1xi1> to vector<64x128xi1>
      %select_n3A_258 = arith.select %broadcast_in_dim3A_257, %max3A_255, %while3A_243 : vector<64x128xi1>, vector<64x128xf32>
      scf.yield %select_n3A_258 : vector<64x128xf32>
    }
    %while3A_184 = arith.constant 1 : i32
    %while3A_185 = scf.for %while3A_242 = %while3A_181 to %while3A_177 step %while3A_184 iter_args(%while3A_243 = %while3A_183) -> (vector<64x128xf32>)  : i32 {
      %eq3A_244 = vector.broadcast %while3A_242 : i32 to vector<250x1xi32>
      %eq3A_245 = arith.cmpi eq, %slice3A_162, %eq3A_244 : vector<250x1xi32>
      %jit3A = arith.constant 0xFF800000 : f32
      %broadcast_in_dim3A_246 = vector.shape_cast %eq3A_245 : vector<250x1xi1> to vector<250x1xi1>
      %broadcast_in_dim3A_247 = vector.broadcast %broadcast_in_dim3A_246 : vector<250x1xi1> to vector<250x128xi1>
      %broadcast_in_dim3A_248 = vector.broadcast %jit3A : f32 to vector<250x128xf32>
      %select_n3A = arith.select %broadcast_in_dim3A_247, %slice3A_163, %broadcast_in_dim3A_248 : vector<250x128xi1>, vector<250x128xf32>
      %reduce_max3A_249 = arith.constant dense<0xFF800000> : vector<128xf32>
      %reduce_max3A_250 = vector.multi_reduction <maximumf>, %select_n3A, %reduce_max3A_249 [0] : vector<250x128xf32> to vector<128xf32>
      %broadcast_in_dim3A_251 = vector.shape_cast %reduce_max3A_250 : vector<128xf32> to vector<1x128xf32>
      %eq3A_252 = vector.broadcast %while3A_242 : i32 to vector<64x1xi32>
      %eq3A_253 = arith.cmpi eq, %iota3A, %eq3A_252 : vector<64x1xi32>
      %max3A_254 = vector.broadcast %broadcast_in_dim3A_251 : vector<1x128xf32> to vector<64x128xf32>
      %max3A_255 = arith.maximumf %while3A_243, %max3A_254 : vector<64x128xf32>
      %broadcast_in_dim3A_256 = vector.shape_cast %eq3A_253 : vector<64x1xi1> to vector<64x1xi1>
      %broadcast_in_dim3A_257 = vector.broadcast %broadcast_in_dim3A_256 : vector<64x1xi1> to vector<64x128xi1>
      %select_n3A_258 = arith.select %broadcast_in_dim3A_257, %max3A_255, %while3A_243 : vector<64x128xi1>, vector<64x128xf32>
      scf.yield %select_n3A_258 : vector<64x128xf32>
    }
    %slice3A_186 = vector.extract_strided_slice %get3A_44 {offsets = [1500, 0], sizes = [250, 1], strides = [1, 1]} : vector<2000x1xi32> to vector<250x1xi32>
    %slice3A_187 = vector.extract_strided_slice %add3A_41 {offsets = [1500, 0], sizes = [250, 128], strides = [1, 1]} : vector<2000x128xf32> to vector<250x128xf32>
    %reduce_min3A_188 = vector.shape_cast %slice3A_186 : vector<250x1xi32> to vector<1x250x1xi32>
    %reduce_min3A_189 = arith.constant dense<2147483647> : vector<1xi32>
    %reduce_min3A_190 = vector.multi_reduction <minsi>, %reduce_min3A_188, %reduce_min3A_189 [1, 2] : vector<1x250x1xi32> to vector<1xi32>
    %reduce_min3A_191 = vector.shape_cast %reduce_min3A_190 : vector<1xi32> to vector<1x1x1xi32>
    %reduce_min3A_192 = vector.extract %reduce_min3A_191[0, 0, 0] : i32 from vector<1x1x1xi32>
    %reduce_max3A_193 = vector.shape_cast %slice3A_186 : vector<250x1xi32> to vector<1x250x1xi32>
    %reduce_max3A_194 = arith.constant dense<-2147483648> : vector<1xi32>
    %reduce_max3A_195 = vector.multi_reduction <maxsi>, %reduce_max3A_193, %reduce_max3A_194 [1, 2] : vector<1x250x1xi32> to vector<1xi32>
    %reduce_max3A_196 = vector.shape_cast %reduce_max3A_195 : vector<1xi32> to vector<1x1x1xi32>
    %reduce_max3A_197 = vector.extract %reduce_max3A_196[0, 0, 0] : i32 from vector<1x1x1xi32>
    %add3A_198 = arith.constant 1 : i32
    %add3A_199 = arith.addi %reduce_max3A_197, %add3A_198 : i32
    %while3A_200 = arith.subi %add3A_199, %reduce_min3A_192 : i32
    %while3A_201 = arith.addi %reduce_min3A_192, %while3A_200 : i32
    %while3A_202 = arith.constant 1 : i32
    %while3A_203 = arith.divsi %while3A_200, %while3A_202 : i32
    %while3A_204 = arith.muli %while3A_203, %while3A_202 : i32
    %while3A_205 = arith.addi %reduce_min3A_192, %while3A_204 : i32
    %while3A_206 = arith.constant 1 : i32
    %while3A_207 = scf.for %while3A_242 = %reduce_min3A_192 to %while3A_205 step %while3A_206 iter_args(%while3A_243 = %while3A_185) -> (vector<64x128xf32>)  : i32 {
      %eq3A_244 = vector.broadcast %while3A_242 : i32 to vector<250x1xi32>
      %eq3A_245 = arith.cmpi eq, %slice3A_186, %eq3A_244 : vector<250x1xi32>
      %jit3A = arith.constant 0xFF800000 : f32
      %broadcast_in_dim3A_246 = vector.shape_cast %eq3A_245 : vector<250x1xi1> to vector<250x1xi1>
      %broadcast_in_dim3A_247 = vector.broadcast %broadcast_in_dim3A_246 : vector<250x1xi1> to vector<250x128xi1>
      %broadcast_in_dim3A_248 = vector.broadcast %jit3A : f32 to vector<250x128xf32>
      %select_n3A = arith.select %broadcast_in_dim3A_247, %slice3A_187, %broadcast_in_dim3A_248 : vector<250x128xi1>, vector<250x128xf32>
      %reduce_max3A_249 = arith.constant dense<0xFF800000> : vector<128xf32>
      %reduce_max3A_250 = vector.multi_reduction <maximumf>, %select_n3A, %reduce_max3A_249 [0] : vector<250x128xf32> to vector<128xf32>
      %broadcast_in_dim3A_251 = vector.shape_cast %reduce_max3A_250 : vector<128xf32> to vector<1x128xf32>
      %eq3A_252 = vector.broadcast %while3A_242 : i32 to vector<64x1xi32>
      %eq3A_253 = arith.cmpi eq, %iota3A, %eq3A_252 : vector<64x1xi32>
      %max3A_254 = vector.broadcast %broadcast_in_dim3A_251 : vector<1x128xf32> to vector<64x128xf32>
      %max3A_255 = arith.maximumf %while3A_243, %max3A_254 : vector<64x128xf32>
      %broadcast_in_dim3A_256 = vector.shape_cast %eq3A_253 : vector<64x1xi1> to vector<64x1xi1>
      %broadcast_in_dim3A_257 = vector.broadcast %broadcast_in_dim3A_256 : vector<64x1xi1> to vector<64x128xi1>
      %select_n3A_258 = arith.select %broadcast_in_dim3A_257, %max3A_255, %while3A_243 : vector<64x128xi1>, vector<64x128xf32>
      scf.yield %select_n3A_258 : vector<64x128xf32>
    }
    %while3A_208 = arith.constant 1 : i32
    %while3A_209 = scf.for %while3A_242 = %while3A_205 to %while3A_201 step %while3A_208 iter_args(%while3A_243 = %while3A_207) -> (vector<64x128xf32>)  : i32 {
      %eq3A_244 = vector.broadcast %while3A_242 : i32 to vector<250x1xi32>
      %eq3A_245 = arith.cmpi eq, %slice3A_186, %eq3A_244 : vector<250x1xi32>
      %jit3A = arith.constant 0xFF800000 : f32
      %broadcast_in_dim3A_246 = vector.shape_cast %eq3A_245 : vector<250x1xi1> to vector<250x1xi1>
      %broadcast_in_dim3A_247 = vector.broadcast %broadcast_in_dim3A_246 : vector<250x1xi1> to vector<250x128xi1>
      %broadcast_in_dim3A_248 = vector.broadcast %jit3A : f32 to vector<250x128xf32>
      %select_n3A = arith.select %broadcast_in_dim3A_247, %slice3A_187, %broadcast_in_dim3A_248 : vector<250x128xi1>, vector<250x128xf32>
      %reduce_max3A_249 = arith.constant dense<0xFF800000> : vector<128xf32>
      %reduce_max3A_250 = vector.multi_reduction <maximumf>, %select_n3A, %reduce_max3A_249 [0] : vector<250x128xf32> to vector<128xf32>
      %broadcast_in_dim3A_251 = vector.shape_cast %reduce_max3A_250 : vector<128xf32> to vector<1x128xf32>
      %eq3A_252 = vector.broadcast %while3A_242 : i32 to vector<64x1xi32>
      %eq3A_253 = arith.cmpi eq, %iota3A, %eq3A_252 : vector<64x1xi32>
      %max3A_254 = vector.broadcast %broadcast_in_dim3A_251 : vector<1x128xf32> to vector<64x128xf32>
      %max3A_255 = arith.maximumf %while3A_243, %max3A_254 : vector<64x128xf32>
      %broadcast_in_dim3A_256 = vector.shape_cast %eq3A_253 : vector<64x1xi1> to vector<64x1xi1>
      %broadcast_in_dim3A_257 = vector.broadcast %broadcast_in_dim3A_256 : vector<64x1xi1> to vector<64x128xi1>
      %select_n3A_258 = arith.select %broadcast_in_dim3A_257, %max3A_255, %while3A_243 : vector<64x128xi1>, vector<64x128xf32>
      scf.yield %select_n3A_258 : vector<64x128xf32>
    }
    %slice3A_210 = vector.extract_strided_slice %get3A_44 {offsets = [1750, 0], sizes = [250, 1], strides = [1, 1]} : vector<2000x1xi32> to vector<250x1xi32>
    %slice3A_211 = vector.extract_strided_slice %add3A_41 {offsets = [1750, 0], sizes = [250, 128], strides = [1, 1]} : vector<2000x128xf32> to vector<250x128xf32>
    %reduce_min3A_212 = vector.shape_cast %slice3A_210 : vector<250x1xi32> to vector<1x250x1xi32>
    %reduce_min3A_213 = arith.constant dense<2147483647> : vector<1xi32>
    %reduce_min3A_214 = vector.multi_reduction <minsi>, %reduce_min3A_212, %reduce_min3A_213 [1, 2] : vector<1x250x1xi32> to vector<1xi32>
    %reduce_min3A_215 = vector.shape_cast %reduce_min3A_214 : vector<1xi32> to vector<1x1x1xi32>
    %reduce_min3A_216 = vector.extract %reduce_min3A_215[0, 0, 0] : i32 from vector<1x1x1xi32>
    %reduce_max3A_217 = vector.shape_cast %slice3A_210 : vector<250x1xi32> to vector<1x250x1xi32>
    %reduce_max3A_218 = arith.constant dense<-2147483648> : vector<1xi32>
    %reduce_max3A_219 = vector.multi_reduction <maxsi>, %reduce_max3A_217, %reduce_max3A_218 [1, 2] : vector<1x250x1xi32> to vector<1xi32>
    %reduce_max3A_220 = vector.shape_cast %reduce_max3A_219 : vector<1xi32> to vector<1x1x1xi32>
    %reduce_max3A_221 = vector.extract %reduce_max3A_220[0, 0, 0] : i32 from vector<1x1x1xi32>
    %add3A_222 = arith.constant 1 : i32
    %add3A_223 = arith.addi %reduce_max3A_221, %add3A_222 : i32
    %while3A_224 = arith.subi %add3A_223, %reduce_min3A_216 : i32
    %while3A_225 = arith.addi %reduce_min3A_216, %while3A_224 : i32
    %while3A_226 = arith.constant 1 : i32
    %while3A_227 = arith.divsi %while3A_224, %while3A_226 : i32
    %while3A_228 = arith.muli %while3A_227, %while3A_226 : i32
    %while3A_229 = arith.addi %reduce_min3A_216, %while3A_228 : i32
    %while3A_230 = arith.constant 1 : i32
    %while3A_231 = scf.for %while3A_242 = %reduce_min3A_216 to %while3A_229 step %while3A_230 iter_args(%while3A_243 = %while3A_209) -> (vector<64x128xf32>)  : i32 {
      %eq3A_244 = vector.broadcast %while3A_242 : i32 to vector<250x1xi32>
      %eq3A_245 = arith.cmpi eq, %slice3A_210, %eq3A_244 : vector<250x1xi32>
      %jit3A = arith.constant 0xFF800000 : f32
      %broadcast_in_dim3A_246 = vector.shape_cast %eq3A_245 : vector<250x1xi1> to vector<250x1xi1>
      %broadcast_in_dim3A_247 = vector.broadcast %broadcast_in_dim3A_246 : vector<250x1xi1> to vector<250x128xi1>
      %broadcast_in_dim3A_248 = vector.broadcast %jit3A : f32 to vector<250x128xf32>
      %select_n3A = arith.select %broadcast_in_dim3A_247, %slice3A_211, %broadcast_in_dim3A_248 : vector<250x128xi1>, vector<250x128xf32>
      %reduce_max3A_249 = arith.constant dense<0xFF800000> : vector<128xf32>
      %reduce_max3A_250 = vector.multi_reduction <maximumf>, %select_n3A, %reduce_max3A_249 [0] : vector<250x128xf32> to vector<128xf32>
      %broadcast_in_dim3A_251 = vector.shape_cast %reduce_max3A_250 : vector<128xf32> to vector<1x128xf32>
      %eq3A_252 = vector.broadcast %while3A_242 : i32 to vector<64x1xi32>
      %eq3A_253 = arith.cmpi eq, %iota3A, %eq3A_252 : vector<64x1xi32>
      %max3A_254 = vector.broadcast %broadcast_in_dim3A_251 : vector<1x128xf32> to vector<64x128xf32>
      %max3A_255 = arith.maximumf %while3A_243, %max3A_254 : vector<64x128xf32>
      %broadcast_in_dim3A_256 = vector.shape_cast %eq3A_253 : vector<64x1xi1> to vector<64x1xi1>
      %broadcast_in_dim3A_257 = vector.broadcast %broadcast_in_dim3A_256 : vector<64x1xi1> to vector<64x128xi1>
      %select_n3A_258 = arith.select %broadcast_in_dim3A_257, %max3A_255, %while3A_243 : vector<64x128xi1>, vector<64x128xf32>
      scf.yield %select_n3A_258 : vector<64x128xf32>
    }
    %while3A_232 = arith.constant 1 : i32
    %while3A_233 = scf.for %while3A_242 = %while3A_229 to %while3A_225 step %while3A_232 iter_args(%while3A_243 = %while3A_231) -> (vector<64x128xf32>)  : i32 {
      %eq3A_244 = vector.broadcast %while3A_242 : i32 to vector<250x1xi32>
      %eq3A_245 = arith.cmpi eq, %slice3A_210, %eq3A_244 : vector<250x1xi32>
      %jit3A = arith.constant 0xFF800000 : f32
      %broadcast_in_dim3A_246 = vector.shape_cast %eq3A_245 : vector<250x1xi1> to vector<250x1xi1>
      %broadcast_in_dim3A_247 = vector.broadcast %broadcast_in_dim3A_246 : vector<250x1xi1> to vector<250x128xi1>
      %broadcast_in_dim3A_248 = vector.broadcast %jit3A : f32 to vector<250x128xf32>
      %select_n3A = arith.select %broadcast_in_dim3A_247, %slice3A_211, %broadcast_in_dim3A_248 : vector<250x128xi1>, vector<250x128xf32>
      %reduce_max3A_249 = arith.constant dense<0xFF800000> : vector<128xf32>
      %reduce_max3A_250 = vector.multi_reduction <maximumf>, %select_n3A, %reduce_max3A_249 [0] : vector<250x128xf32> to vector<128xf32>
      %broadcast_in_dim3A_251 = vector.shape_cast %reduce_max3A_250 : vector<128xf32> to vector<1x128xf32>
      %eq3A_252 = vector.broadcast %while3A_242 : i32 to vector<64x1xi32>
      %eq3A_253 = arith.cmpi eq, %iota3A, %eq3A_252 : vector<64x1xi32>
      %max3A_254 = vector.broadcast %broadcast_in_dim3A_251 : vector<1x128xf32> to vector<64x128xf32>
      %max3A_255 = arith.maximumf %while3A_243, %max3A_254 : vector<64x128xf32>
      %broadcast_in_dim3A_256 = vector.shape_cast %eq3A_253 : vector<64x1xi1> to vector<64x1xi1>
      %broadcast_in_dim3A_257 = vector.broadcast %broadcast_in_dim3A_256 : vector<64x1xi1> to vector<64x128xi1>
      %select_n3A_258 = arith.select %broadcast_in_dim3A_257, %max3A_255, %while3A_243 : vector<64x128xi1>, vector<64x128xf32>
      scf.yield %select_n3A_258 : vector<64x128xf32>
    }
    %eq3A = arith.constant 0 : i32
    %eq3A_234 = arith.cmpi eq, %arg0, %eq3A : i32
    %convert_element_type3A = arith.extui %eq3A_234 : i1 to i32
    %cond3A = arith.constant 0 : i32
    %cond3A_235 = arith.cmpi ne, %convert_element_type3A, %cond3A : i32
    scf.if %cond3A_235 {
      %broadcast_in_dim3A_242 = arith.constant 0xFF800000 : f32
      %broadcast_in_dim3A_243 = vector.broadcast %broadcast_in_dim3A_242 : f32 to vector<64x128xf32>
      %swap3A_244 = arith.constant 0 : index
      %swap3A_245 = arith.constant 0 : index
      %swap3A_246 = vector.load %arg9[%swap3A_244, %swap3A_245] : memref<64x128xf32, #tpu.memory_space<vmem>>, vector<64x128xf32>
      tpu.vector_store %arg9[%swap3A_244, %swap3A_245], %broadcast_in_dim3A_243 {strides = array<i32>} : memref<64x128xf32, #tpu.memory_space<vmem>>, vector<64x128xf32>,
    } else {
    }
    %get3A_236 = arith.constant 0 : index
    %get3A_237 = arith.constant 0 : index
    %get3A_238 = vector.load %arg9[%get3A_236, %get3A_237] : memref<64x128xf32, #tpu.memory_space<vmem>>, vector<64x128xf32>
    %max3A_239 = arith.maximumf %get3A_238, %while3A_233 : vector<64x128xf32>
    %swap3A = arith.constant 0 : index
    %swap3A_240 = arith.constant 0 : index
    %swap3A_241 = vector.load %arg9[%swap3A, %swap3A_240] : memref<64x128xf32, #tpu.memory_space<vmem>>, vector<64x128xf32>
    tpu.vector_store %arg9[%swap3A, %swap3A_240], %max3A_239 {strides = array<i32>} : memref<64x128xf32, #tpu.memory_space<vmem>>, vector<64x128xf32>,
    return
  }
  func.func @transform_0(%arg0: i32) -> (i32, i32) {
    %c0_i32 = arith.constant 0 : i32
    %c0_i32_0 = arith.constant 0 : i32
    return %arg0, %c0_i32 : i32, i32
  }
  func.func @transform_1(%arg0: i32) -> (i32, i32) {
    %c0_i32 = arith.constant 0 : i32
    %c0_i32_0 = arith.constant 0 : i32
    return %arg0, %c0_i32 : i32, i32
  }
  func.func @transform_2(%arg0: i32) -> (i32, i32, i32) {
    %c0_i32 = arith.constant 0 : i32
    %c0_i32_0 = arith.constant 0 : i32
    %c0_i32_1 = arith.constant 0 : i32
    return %c0_i32, %arg0, %c0_i32_0 : i32, i32, i32
  }
  func.func @transform_3(%arg0: i32) -> (i32, i32) {
    %c0_i32 = arith.constant 0 : i32
    %c0_i32_0 = arith.constant 0 : i32
    %c0_i32_1 = arith.constant 0 : i32
    return %c0_i32, %c0_i32_0 : i32, i32
  }
  func.func @transform_4(%arg0: i32) -> (i32, i32) {
    %c0_i32 = arith.constant 0 : i32
    %c0_i32_0 = arith.constant 0 : i32
    %c0_i32_1 = arith.constant 0 : i32
    return %c0_i32, %c0_i32_0 : i32, i32
  }
  func.func @transform_5(%arg0: i32) -> (i32, i32) {
    %c0_i32 = arith.constant 0 : i32
    %c0_i32_0 = arith.constant 0 : i32
    %c0_i32_1 = arith.constant 0 : i32
    return %c0_i32, %c0_i32_0 : i32, i32
  }
  func.func @transform_6(%arg0: i32) -> (i32, i32) {
    %c0_i32 = arith.constant 0 : i32
    %c0_i32_0 = arith.constant 0 : i32
    %c0_i32_1 = arith.constant 0 : i32
    return %c0_i32, %c0_i32_0 : i32, i32
  }
  func.func @transform_7(%arg0: i32) -> (i32, i32) {
    %c0_i32 = arith.constant 0 : i32
    %c0_i32_0 = arith.constant 0 : i32
    %c0_i32_1 = arith.constant 0 : i32
    return %c0_i32, %c0_i32_0 : i32, i32
  }
  func.func @transform_8(%arg0: i32) -> (i32, i32) {
    %c0_i32 = arith.constant 0 : i32
    %c0_i32_0 = arith.constant 0 : i32
    %c0_i32_1 = arith.constant 0 : i32
    return %c0_i32, %c0_i32_0 : i32, i32
  }
}

</mosaic_0001>

<sc_bundles>
// kernel: kernel.5.cloned.1.call-start
scs
__scs_entry_jumppad:
0x0: {  	(pc) =	sbr.rel $0x88, $3  }
0x1: {  	(tag) =	ssettag $0x0;
	lr =	simm.s32 $0x1  }
0x2: {  	[smem:$0x3F98] =	sst lr;
	_ =	strace $0xD0000000  }
0x3: {  	_ = 	snop  }
0x4: {  	_ = 	snop  }
0x5: {  	_ = 	snop  }
0x6: {  	_ = 	snop  }
0x7: {  	_ = 	snop  }
__scs_overlays_trampoline_lowered:
0x8: {  	[smem:$0x3FA7] =	sst s0  }
0x9: {  	[smem:$0x3FA8] =	sst s1  }
0xa: {  	[smem:$0x3FA9] =	sst s2  }
0xb: {  	[smem:$0x3FAA] =	sst s3  }
0xc: {  	[smem:$0x3FAB] =	sst s4  }
0xd: {  	[smem:$0x3FAC] =	sst s5  }
0xe: {  	[smem:$0x3FAD] =	sst s6  }
0xf: {  	[smem:$0x3FAE] =	sst s7  }
0x10: {  	[smem:$0x3FAF] =	sst s8  }
0x11: {  	[smem:$0x3FB0] =	sst s9;
	s0 =	simm.s32 @!p0 $0x0  }
0x12: {  	s1 =	sld [smem:$0x3F96];
	s0 =	simm.s32 @p0 $0x1  }
0x13: {  	[smem:$0x3FB1] =	sst s0;
	s0 =	simm.s32 @!p1 $0x0  }
0x14: {  	s2 =	sld [smem:$0x3F95];
	s0 =	simm.s32 @p1 $0x1  }
0x15: {  	[smem:$0x3FB2] =	sst s0;
	s0 =	simm.s32 @!p2 $0x0  }
0x16: {  	s3 =	sld [smem:$0x3FDB];
	s0 =	simm.s32 @p2 $0x1  }
0x17: {  	s4 =	simm.s32 $0x1BF5;
	[smem:$0x3FB4] =	sst s0  }
0x18: {  	s0 =	sld [smem:$0x3F97];
	_ =	swait.ge [sflag:s4], $0x0  }
0x19: {  	s7 =	sld [smem:$0x3F98]  }
0x1a: {  	s8 =	sadd.s32 $0xFFFFE003, lr  }
0x1b: {  	s9 =	sadd.s32 $0xFFFFFEF7, lr;
	s5 =	simm.s32 $0xFFFFFFFF;
	p2 =	slt.u32 s8, $0xFFFFF086  }
0x1c: {  	p1 =	slt.u32 s9, $0xF7A;
	s5 =	simm.s32 @!p2 $0x0  }
0x1d: {  	s5 =	simm.s32 @p1 $0x1;
	p0 =	seq.s32 s7, s2  }
0x1e: {  	s7 =	smul.u32 @!p0 $0xF7A, s2;
	p2 =	seq.s32 @!p0 s5, $0x0  }
0x1f: {  	s9 =	smul.u32 $0xF7A, s1;
	s8 =	simm.s32 @!p0 $0x1BF5;
	p2 =	por !p2, p0  }
0x20: {  	[sflag:s8] =	ssyncset.s32 @!p0 $0xFFFFF086;
	s6 =	sadd.s32 @!p0 s3, s7;
	s7 =	simm.s32 @!p0 $0x108  }
0x21: {  	s3 =	sadd.s32 s3, s9;
	s6 =	sadd.s32 @!p0 $0x88, s6;
	s7 =	simm.s32 @p2 $0x1082  }
0x22: {  	[simem:s7], [sflag:s8] =	dma.local @!p0 [hbm:s6], $0xF7A  }
0x23: {  	s9 =	sor.u32 $0xD0000000, s2;
	s6 =	simm.s32 $0x108;
	_ =	swait.ge @!p0 [sflag:s8], $0x0  }
0x24: {  	s3 =	sadd.s32 $0x88, s3;
	s6 =	simm.s32 @!p1 $0x1082;
	[sflag:s4] =	ssyncset.s32 $0xFFFFF086  }
0x25: {  	[simem:s6], [sflag:s4] =	dma.local [hbm:s3], $0xF7A  }
0x26: {  	[smem:$0x3F98] =	sst s1;
	(tag) =	ssettag s2;
	_ =	strace s9  }
0x27: {  	s1 =	sld [smem:$0x3FA8]  }
0x28: {  	s2 =	sld [smem:$0x3FA9]  }
0x29: {  	s4 =	sld [smem:$0x3FAB]  }
0x2a: {  	p0 =	seq.s32 s5, $0x0;
	s5 =	sld [smem:$0x3FAC]  }
0x2b: {  	s6 =	sld [smem:$0x3FAD]  }
0x2c: {  	s7 =	sld [smem:$0x3FAE]  }
0x2d: {  	s3 =	simm.s32 $0x108;
	s8 =	sld [smem:$0x3FAF]  }
0x2e: {  	s3 =	simm.s32 @!p0 $0x1082;
	s9 =	sld [smem:$0x3FB0]  }
0x2f: {  	lr =	sadd.s32 s0, s3;
	s0 =	sld [smem:$0x3FA7]  }
0x30: {  	s3 =	sld [smem:$0x3FAA]  }
0x31: {  	[smem:$0x3FB3] =	sst s10  }
0x32: {  	s10 =	sld [smem:$0x3FB1];
	_ =	sdelay $0x3  }
0x33: {  	p0 =	seq.s32 s10, $0x1;
	s10 =	sld [smem:$0x3FB3];
	_ =	sdelay $0x3  }
0x34: {  	[smem:$0x3FB3] =	sst s10  }
0x35: {  	s10 =	sld [smem:$0x3FB2];
	_ =	sdelay $0x3  }
0x36: {  	p1 =	seq.s32 s10, $0x1;
	s10 =	sld [smem:$0x3FB3];
	_ =	sdelay $0x3  }
0x37: {  	[smem:$0x3FB3] =	sst s10  }
0x38: {  	s10 =	sld [smem:$0x3FB4]  }
0x39: {  	_ = 	snop;
	(pc) =	sbr.ind lr, $3  }
0x3a: {  	_ = 	snop  }
0x3b: {  	_ = 	snop  }
0x3c: {  	p2 =	seq.s32 s10, $0x1;
	s10 =	sld [smem:$0x3FB3]  }
0x3d: {  	_ =	shalt  }
0x3e: {  	_ =	shalt  }
0x3f: {  	_ =	shalt  }
0x40: {  	_ =	shalt  }
0x41: {  	_ =	shalt  }
0x42: {  	_ =	shalt  }
0x43: {  	_ =	shalt  }
0x44: {  	_ =	shalt  }
0x45: {  	_ =	shalt  }
0x46: {  	_ =	shalt  }
0x47: {  	_ =	shalt  }
0x48: {  	_ =	shalt  }
0x49: {  	_ =	shalt  }
0x4a: {  	_ =	shalt  }
0x4b: {  	_ =	shalt  }
0x4c: {  	_ =	shalt  }
0x4d: {  	_ =	shalt  }
0x4e: {  	_ =	shalt  }
0x4f: {  	_ =	shalt  }
0x50: {  	_ =	shalt  }
0x51: {  	_ =	shalt  }
0x52: {  	_ =	shalt  }
0x53: {  	_ =	shalt  }
0x54: {  	_ =	shalt  }
0x55: {  	_ =	shalt  }
0x56: {  	_ =	shalt  }
0x57: {  	_ =	shalt  }
0x58: {  	_ =	shalt  }
0x59: {  	_ =	shalt  }
0x5a: {  	_ =	shalt  }
0x5b: {  	_ =	shalt  }
0x5c: {  	_ =	shalt  }
0x5d: {  	_ =	shalt  }
0x5e: {  	_ =	shalt  }
0x5f: {  	_ =	shalt  }
0x60: {  	_ =	shalt  }
0x61: {  	_ =	shalt  }
0x62: {  	_ =	shalt  }
0x63: {  	_ =	shalt  }
0x64: {  	_ =	shalt  }
0x65: {  	_ =	shalt  }
0x66: {  	_ =	shalt  }
0x67: {  	_ =	shalt  }
0x68: {  	_ =	shalt  }
0x69: {  	_ =	shalt  }
0x6a: {  	_ =	shalt  }
0x6b: {  	_ =	shalt  }
0x6c: {  	_ =	shalt  }
0x6d: {  	_ =	shalt  }
0x6e: {  	_ =	shalt  }
0x6f: {  	_ =	shalt  }
0x70: {  	_ =	shalt  }
0x71: {  	_ =	shalt  }
0x72: {  	_ =	shalt  }
0x73: {  	_ =	shalt  }
0x74: {  	_ =	shalt  }
0x75: {  	_ =	shalt  }
0x76: {  	_ =	shalt  }
0x77: {  	_ =	shalt  }
0x78: {  	_ =	shalt  }
0x79: {  	_ =	shalt  }
0x7a: {  	_ =	shalt  }
0x7b: {  	_ =	shalt  }
0x7c: {  	_ =	shalt  }
0x7d: {  	_ =	shalt  }
0x7e: {  	_ =	shalt  }
0x7f: {  	_ =	shalt  }
0x80: {  	_ =	shalt  }
0x81: {  	_ =	shalt  }
0x82: {  	_ =	shalt  }
0x83: {  	_ =	shalt  }
0x84: {  	_ =	shalt  }
0x85: {  	_ =	shalt  }
0x86: {  	_ =	shalt  }
0x87: {  	_ =	shalt  }
.Lfunc_end0:
.L_simem_size_0:
called_computation_lowered:
.L_overlay_start_0:
0x88: {  	s2 =	sld [smem:$0x3FD9]  }
0x89: {  	s3 =	sld [smem:$0x3FFE];
	_ =	sdelay $0x1  }
0x8a: {  	s1 =	srdreg.scid  }
0x8b: {  	s0 =	sand.u32 $0x1, s1  }
0x8c: {  	s17 =	sshll.u32 s0, $0xA;
	s2 =	sadd.s32 s3, s2  }
0x8d: {  	s2 =	sadd.s32 s2, s17  }
0x8e: {  	[smem:$0x3FBF] =	sst s2  }
0x8f: {  	_ = 	snop  }
0x90: {  	s2 =	sld [smem:$0x3FC9];
	(tm) =	ssettm $0x1  }
0x91: {  	s18 =	sld [smem:$0x3FFB];
	_ =	sdelay $0x3  }
0x92: {  	_ =	strace s18  }
0x93: {  	s3 =	sld [smem:$0x3FFC];
	_ =	sdelay $0x3  }
0x94: {  	_ =	strace s3  }
0x95: {  	s3 =	sld [smem:$0x3FFD];
	_ =	sdelay $0x3  }
0x96: {  	_ =	strace s3  }
0x97: {  	_ =	strace $0x8FFFFFFF  }
0x98: {  	s19 =	sld [smem:$0x3FDB];
	_ =	sdelay $0x1  }
0x99: {  	s4 =	simm.s32 $_scs_section_size  }
0x9a: {  	s5 =	simm.s32 $_size__tile_overlayer_lowered;
	s6 =	simm.s32 $_tile_overlayer_lowered  }
0x9b: {  	s22 =	simm.s32 $0x1BFF;
	s21 =	sshll.u32 s6, $0x1;
	s3 =	sadd.s32 s4, s19  }
0x9c: {  	s7 =	simm.s32 $0x0;
	s20 =	sshll.u32 s5, $0x1;
	s5 =	sadd.s32 s21, s3  }
0x9d: {  	[timem:s7], [sflag:s22] =	dma.local [hbm:s5], s20  }
0x9e: {  	_ =	swait.ge [sflag:s22], s20  }
0x9f: {  	s4 =	ssub.s32 $0x0, s20;
	[sflag:s22] =	ssyncset.done $0x0  }
0xa0: {  	[sflag:s22] =	ssyncadd.s32 s4;
	_ =	sdelay $0x1  }
0xa1: {  	s23 =	simm.s32 $0x1B8B  }
0xa2: {  	_ =	swait.ge [sflag:s23], $0x1  }
0xa3: {  	[sflag:s23] =	ssyncset.done $0x0  }
0xa4: {  	s25 =	simm.s32 $0x1B8E;
	s24 =	sld [smem:$0x3FFE];
	[sflag:s23] =	ssyncadd.s32 $0xFFFFFFFF  }
0xa5: {  	s26 =	simm.s32 $execute0_lowered;
	[smem:$0x3FD2] =	sst s25  }
0xa6: {  	s5 =	sshll.u32 s26, $0x1;
	_ =	strace $0x80000046;
	[dreg:$0x1] =	wrdreg $0xFFFFFFFF  }
0xa7: {  	s28 =	simm.s32 $_size_execute0_lowered;
	s3 =	sadd.s32 s3, s5;
	[dreg:$0x0] =	wrdreg $0x0  }
0xa8: {  	s5 =	sshll.u32 s28, $0x1;
	[dreg:$0x2] =	wrdreg s3  }
0xa9: {  	[dreg:$0x3] =	wrdreg s5  }
0xaa: {  	[dreg:$0x4] =	wrdreg $0xC0  }
0xab: {  	_ =	task [dreg:s7], $0x5FFFF  }
0xac: {  	[dreg:$0x1] =	wrdreg $0xFFFFFFFF  }
0xad: {  	[dreg:$0x0] =	wrdreg $0x60  }
0xae: {  	[dreg:$0x2] =	wrdreg s24  }
0xaf: {  	[dreg:$0x3] =	wrdreg s2  }
0xb0: {  	[dreg:$0x4] =	wrdreg $0xA8000  }
0xb1: {  	[dreg:$0x5] =	wrdreg $0x9  }
0xb2: {  	_ =	task.clear_ibuf [dreg:s7], $0x6FFFF;
	_ =	strace $0x90000046  }
0xb3: {  	s29 =	simm.s32 $0x9;
	_ =	strace $0x80000048  }
0xb4: {  	_ =	swait.ge [sflag:s29], $0x1  }
0xb5: {  	[sflag:s29] =	ssyncadd.s32 $0xFFFFFFFF  }
0xb6: {  	_ =	strace $0x90000048  }
0xb7: {  	_ =	sfence  }
0xb8: {  	s30 =	sld [smem:$0x0];
	_ =	sdelay $0x2  }
0xb9: {  	s31 =	sshll.u32 s1, $0xD;
	s1 =	sshrl.u32 s1, $0x2  }
0xba: {  	s3 =	sand.u32 $0x4000, s31;
	s1 =	sadd.s32 s1, s30  }
0xbb: {  	s0 =	sor.u32 s3, s0;
	s1 =	sshll.u32 s1, $0x11  }
0xbc: {  	s0 =	sor.u32 s1, s0  }
0xbd: {  	s0 =	sadd.s32 $0x8F2B, s0  }
0xbe: {  	[sflag:s0] =	ssyncadd.remote.s32 $0x1  }
0xbf: {  	_ =	sfence.sel $0xFFFF  }
0xc0: {  	[dreg:$0x0] =	wrdreg $0xFFFFFFFF;
	(pc) =	sbr.abs _section_cstart, $3  }
0xc1: {  	[dreg:$0x1] =	wrdreg $0xFFFFFFFF  }
0xc2: {  	_ =	task.clear_ibuf [dreg:s7], $0x2FFFF;
	_ =	strace $0x9FFFFFFF  }
0xc3: {  	(tm) =	ssettm $0x7FFFFFFF  }
tec
execute0_lowered:
.L_overlay_start_1:
0x0: {  	(tag) =	ssettag $0x1  }
0x1: {  	s5 =	rddreg [dreg:$0x0]  }
0x2: {  	s1 =	rddreg [dreg:$0x1]  }
0x3: {  	s2 =	rddreg [dreg:$0x2];
	s3 =	srdreg.scid  }
0x4: {  	s4 =	simm.s32 $0x0;
	s16 =	simm.s32 $0x4E400;
	s17 =	simm.s32 $0x2800  }
0x5: {  	s18 =	simm.s32 $0x4;
	s19 =	simm.s32 $0x1;
	s20 =	simm.s32 $0x80  }
0x6: {  	s21 =	simm.s32 $0x6800;
	s22 =	simm.s32 $0x2;
	s23 =	simm.s32 $0x3  }
0x7: {  	s28 =	simm.s32 $0x2400;
	s6 =	sand.u32 $0x1, s3;
	s3 =	stileid.u32  }
0x8: {  	s29 =	simm.s32 $0x0;
	[smem:$0x7FF] =	sst s4;
	s7 =	smul.u32 $0x140000, s6  }
0x9: {  	s11 =	sadd.s32 $0x2000, s5;
	s8 =	sshll.u32 s3, $0x1;
	s9 =	smul.u32 $0x14000, s3  }
0xa: {  	s24 =	smul.u32 $0x50000, s3;
	s25 =	ssub.s32 $0x2, s6;
	s8 =	sor.u32 s6, s8  }
0xb: {  	_ =	strace $0x80000047;
	s30 =	sshrl.u32 s25, $0x1;
	s10 =	sshll.u32 s8, $0x7  }
0xc: {  	s7 =	sadd.s32 s9, s7;
	s26 =	smul.u32 $0x480, s8;
	s9 =	sshrl.u32 s24, $0x2  }
0xd: {  	s31 =	smul.u32 $0x2400, s8;
	s14 =	ssub.s32 s25, s30;
	s24 =	simm.s32 $0x2700  }
0xe: {  	s25 =	simm.s32 $0x2780;
	s12 =	sadd.s32 s10, s5;
	s7 =	sshrl.u32 s7, $0x3  }
0xf: {  	s6 =	sadd.s32 s9, s2;
	s14 =	smax.u32 s14, $0x1;
	s13 =	sadd.s32 s7, s5  }
0x10: {  	s5 =	sadd.s32 s11, s26;
	s7 =	sadd.s32 $0x4000, s6;
	s8 =	sadd.s32 $0x8000, s6  }
0x11: {  	s15 =	sshrl.u32 s31, $0x3;
	s9 =	sadd.s32 $0xC000, s6;
	s10 =	sadd.s32 $0x10000, s6  }
0x12: {  	s12 =	sadd.s32 $0x15A00, s12;
	s26 =	simm.s32 $0x1000;
	s11 =	sadd.s32 s11, s15  }
0x13: {  	v0 =	vimm.f32 $0.0e+00;
	s13 =	sadd.s32 $0x17A00, s13;
	s15 =	simm.s32 $0x1400;
	s11 =	sadd.s32 $0x280, s11  }
.LBB2_1:
0x14: {  	[tilespmem:s4], [sflag:$0x1] =	stream.strided.gather [hbm4b:s5+s15], $0x2800, s16, s15, $0x38;
	[tilespmem:$0x1E800] =	vst v63  }
0x15: {  	s30 =	simm.s32 $0x0;
	s31 =	simm.s32 $0x200  }
.LBB2_2:
0x16: {  	p0 =	sne.s32 s31, $0xFE00;
	[tilespmem:s30+$0x2870] =	vst v0  }
0x17: {  	[tilespmem:s30+$0x2800] =	vst v0  }
0x18: {  	[tilespmem:s30+$0x2810] =	vst v0  }
.Ltmp0:
0x19: {  	[tilespmem:s30+$0x2820] =	vst v0;
	(pc) =	sbr.rel @p0 .LBB2_2-.Ltmp0, $4  }
0x1a: {  	[tilespmem:s30+$0x2830] =	vst v0  }
0x1b: {  	[tilespmem:s30+$0x2840] =	vst v0  }
0x1c: {  	[tilespmem:s30+$0x2850] =	vst v0  }
0x1d: {  	[tilespmem:s30+$0x2860] =	vst v0;
	s30 =	sshra.s32 s31, $0x2;
	s31 =	sadd.s32 $0x200, s31  }
0x1e: {  	[tilespmem:s30+$0x2870] =	vst v0  }
0x1f: {  	[tilespmem:s30+$0x2800] =	vst v0  }
0x20: {  	[tilespmem:s30+$0x2810] =	vst v0  }
0x21: {  	[tilespmem:s30+$0x2820] =	vst v0  }
0x22: {  	[tilespmem:s30+$0x2830] =	vst v0  }
0x23: {  	[tilespmem:s30+$0x2840] =	vst v0  }
0x24: {  	[tilespmem:s30+$0x2850] =	vst v0  }
0x25: {  	[tilespmem:s30+$0x2860] =	vst v0  }
0x26: {  	[spmem:s6] =	stream.linear.scatter [tilespmem:s17], [sflag:$0x4], $0x4000, $0x38;
	[tilespmem:$0x1E800] =	vst v63  }
0x27: {  	_ =	swait.ge [sflag:s18], $0x4000  }
0x28: {  	[sflag:s18] =	ssyncset.done $0x0  }
0x29: {  	[sflag:s18] =	ssyncadd.s32 $0xFFFFC000  }
0x2a: {  	[spmem:s7] =	stream.linear.scatter [tilespmem:s17], [sflag:$0x4], $0x4000, $0x38;
	[tilespmem:$0x1E800] =	vst v63  }
0x2b: {  	_ =	swait.ge [sflag:s18], $0x4000  }
0x2c: {  	[sflag:s18] =	ssyncset.done $0x0  }
0x2d: {  	[sflag:s18] =	ssyncadd.s32 $0xFFFFC000  }
0x2e: {  	[spmem:s8] =	stream.linear.scatter [tilespmem:s17], [sflag:$0x4], $0x4000, $0x38;
	[tilespmem:$0x1E800] =	vst v63  }
0x2f: {  	_ =	swait.ge [sflag:s18], $0x4000  }
0x30: {  	[sflag:s18] =	ssyncset.done $0x0  }
0x31: {  	[sflag:s18] =	ssyncadd.s32 $0xFFFFC000  }
0x32: {  	[spmem:s9] =	stream.linear.scatter [tilespmem:s17], [sflag:$0x4], $0x4000, $0x38;
	[tilespmem:$0x1E800] =	vst v63  }
0x33: {  	_ =	swait.ge [sflag:s18], $0x4000  }
0x34: {  	[sflag:s18] =	ssyncset.done $0x0  }
0x35: {  	[sflag:s18] =	ssyncadd.s32 $0xFFFFC000  }
0x36: {  	[spmem:s10] =	stream.linear.scatter [tilespmem:s17], [sflag:$0x4], $0x4000, $0x38;
	[tilespmem:$0x1E800] =	vst v63  }
0x37: {  	_ =	swait.ge [sflag:s18], $0x4000  }
0x38: {  	[sflag:s18] =	ssyncset.done $0x0  }
0x39: {  	[sflag:s18] =	ssyncadd.s32 $0xFFFFC000  }
0x3a: {  	[bflag:$0x0] =	sbarrier.arrive $0xFFFF  }
0x3b: {  	_ =	swait.ge [sflag:s19], $0x2800  }
0x3c: {  	[sflag:s19] =	ssyncset.done $0x0  }
0x3d: {  	[sflag:s19] =	ssyncadd.s32 $0xFFFFD800  }
0x3e: {  	[tilespmem:s17], [sflag:$0x2] =	stream.indirect.gather [hbm4b:s1+s20], $0x80, s4, s20, $0xb8;
	[tilespmem:$0x1E800] =	vst v63  }
0x3f: {  	_ = 	snop  }
0x40: {  	[tilespmem:s21], [sflag:$0x3] =	stream.indirect.gather [hbm4b:s1+s20], $0x80, s20, s20, $0xb8;
	[tilespmem:$0x1E800] =	vst v63  }
0x41: {  	_ =	swait.ge [sflag:s22], $0x4000  }
0x42: {  	[sflag:s22] =	ssyncset.done $0x0  }
0x43: {  	s30 =	simm.s32 $0x1400;
	[sflag:s22] =	ssyncadd.s32 $0xFFFFC000  }
0x44: {  	[spmem:s2] =	stream.indirect.scatter.add.f32 [tilespmem:s17], [sflag:$0x4], $0x80, s30, s20, $0xb8;
	[tilespmem:$0x1E800] =	vst v63  }
0x45: {  	_ =	swait.ge [sflag:s18], $0x4000  }
0x46: {  	[sflag:s18] =	ssyncset.done $0x0  }
0x47: {  	s30 =	simm.s32 $0x100;
	[sflag:s18] =	ssyncadd.s32 $0xFFFFC000  }
0x48: {  	[tilespmem:s17], [sflag:$0x2] =	stream.indirect.gather [hbm4b:s1+s20], $0x80, s30, s20, $0xb8;
	[tilespmem:$0x1E800] =	vst v63  }
0x49: {  	_ =	swait.ge [sflag:s23], $0x4000  }
0x4a: {  	[sflag:s23] =	ssyncset.done $0x0  }
0x4b: {  	s30 =	simm.s32 $0x1480;
	[sflag:s23] =	ssyncadd.s32 $0xFFFFC000  }
0x4c: {  	[spmem:s2] =	stream.indirect.scatter.add.f32 [tilespmem:s21], [sflag:$0x4], $0x80, s30, s20, $0xb8;
	[tilespmem:$0x1E800] =	vst v63  }
0x4d: {  	_ =	swait.ge [sflag:s18], $0x4000  }
0x4e: {  	[sflag:s18] =	ssyncset.done $0x0  }
0x4f: {  	s31 =	simm.s32 $0x180;
	s30 =	simm.s32 $0x800;
	[sflag:s18] =	ssyncadd.s32 $0xFFFFC000  }
.LBB2_4:
0x50: {  	[tilespmem:s21], [sflag:$0x3] =	stream.indirect.gather [hbm4b:s1+s20], $0x80, s31, s20, $0xb8;
	[tilespmem:$0x1E800] =	vst v63  }
0x51: {  	s31 =	smov.u32 s30  }
0x52: {  	p0 =	sne.s32 s30, $0x4C00;
	s30 =	sadd.s32 $0x400, s30;
	_ =	swait.ge [sflag:s22], $0x4000  }
0x53: {  	s31 =	sshra.s32 s31, $0x2;
	[sflag:s22] =	ssyncset.done $0x0  }
0x54: {  	s0 =	sadd.s32 $0x1300, s31;
	[sflag:s22] =	ssyncadd.s32 $0xFFFFC000  }
0x55: {  	[spmem:s2] =	stream.indirect.scatter.add.f32 [tilespmem:s17], [sflag:$0x4], $0x80, s0, s20, $0xb8;
	[tilespmem:$0x1E800] =	vst v63  }
0x56: {  	_ =	swait.ge [sflag:s18], $0x4000  }
0x57: {  	[sflag:s18] =	ssyncset.done $0x0  }
0x58: {  	[sflag:s18] =	ssyncadd.s32 $0xFFFFC000  }
0x59: {  	[tilespmem:s17], [sflag:$0x2] =	stream.indirect.gather [hbm4b:s1+s20], $0x80, s31, s20, $0xb8;
	[tilespmem:$0x1E800] =	vst v63  }
0x5a: {  	_ =	swait.ge [sflag:s23], $0x4000  }
0x5b: {  	[sflag:s23] =	ssyncset.done $0x0  }
.Ltmp1:
0x5c: {  	s0 =	sadd.s32 $0x1380, s31;
	[sflag:s23] =	ssyncadd.s32 $0xFFFFC000;
	(pc) =	sbr.rel @p0 .LBB2_4-.Ltmp1, $4  }
0x5d: {  	[spmem:s2] =	stream.indirect.scatter.add.f32 [tilespmem:s21], [sflag:$0x4], $0x80, s0, s20, $0xb8;
	[tilespmem:$0x1E800] =	vst v63  }
0x5e: {  	_ =	swait.ge [sflag:s18], $0x4000  }
0x5f: {  	[sflag:s18] =	ssyncset.done $0x0  }
0x60: {  	s31 =	sadd.s32 $0x80, s31;
	[sflag:s18] =	ssyncadd.s32 $0xFFFFC000  }
0x61: {  	[tilespmem:s21], [sflag:$0x3] =	stream.indirect.gather [hbm4b:s1+s20], $0x80, s31, s20, $0xb8;
	[tilespmem:$0x1E800] =	vst v63  }
0x62: {  	_ =	swait.ge [sflag:s22], $0x4000  }
0x63: {  	[sflag:s22] =	ssyncset.done $0x0  }
0x64: {  	[sflag:s22] =	ssyncadd.s32 $0xFFFFC000  }
0x65: {  	[spmem:s2] =	stream.indirect.scatter.add.f32 [tilespmem:s17], [sflag:$0x4], $0x80, s24, s20, $0xb8;
	[tilespmem:$0x1E800] =	vst v63  }
0x66: {  	_ =	swait.ge [sflag:s18], $0x4000  }
0x67: {  	[sflag:s18] =	ssyncset.done $0x0  }
0x68: {  	[sflag:s18] =	ssyncadd.s32 $0xFFFFC000  }
0x69: {  	_ =	swait.ge [sflag:s23], $0x4000  }
0x6a: {  	[sflag:s23] =	ssyncset.done $0x0  }
0x6b: {  	[sflag:s23] =	ssyncadd.s32 $0xFFFFC000  }
0x6c: {  	[spmem:s2] =	stream.indirect.scatter.add.f32 [tilespmem:s21], [sflag:$0x4], $0x80, s25, s20, $0xb8;
	[tilespmem:$0x1E800] =	vst v63  }
0x6d: {  	_ =	swait.ge [sflag:s18], $0x4000  }
0x6e: {  	[sflag:s18] =	ssyncset.done $0x0  }
0x6f: {  	[sflag:s18] =	ssyncadd.s32 $0xFFFFC000  }
0x70: {  	[tilespmem:s4], [sflag:$0x1] =	stream.linear.gather [hbm4b:s11+s4], $0x1000, $0x38;
	[tilespmem:$0x1E800] =	vst v63  }
0x71: {  	s0 =	sadd.s32 $0x9C80, s11  }
0x72: {  	[tilespmem:s15], [sflag:$0x1] =	stream.linear.gather [hbm4b:s0+s4], $0x1000, $0x38;
	[tilespmem:$0x1E800] =	vst v63  }
0x73: {  	_ = 	snop  }
0x74: {  	[tilespmem:s26], [sflag:$0x1] =	stream.linear.gather [hbm4b:s12+s4], $0x400, $0x38;
	[tilespmem:$0x1E800] =	vst v63  }
0x75: {  	s0 =	sadd.s32 $0x1000, s12  }
0x76: {  	[tilespmem:s28], [sflag:$0x1] =	stream.linear.gather [hbm4b:s0+s4], $0x400, $0x38;
	[tilespmem:$0x1E800] =	vst v63  }
0x77: {  	_ =	swait.ge [sflag:s19], $0x2000  }
0x78: {  	[sflag:s19] =	ssyncset.done $0x0  }
0x79: {  	[sflag:s19] =	ssyncadd.s32 $0xFFFFE000  }
0x7a: {  	_ =	swait.ge [sflag:s19], $0x800  }
0x7b: {  	[sflag:s19] =	ssyncset.done $0x0  }
0x7c: {  	[sflag:s19] =	ssyncadd.s32 $0xFFFFF800  }
0x7d: {  	[tilespmem:s17], [sflag:$0x2] =	stream.indirect.gather [hbm4b:s1+s20], $0x80, s4, s20, $0xb8;
	[tilespmem:$0x1E800] =	vst v63  }
0x7e: {  	_ = 	snop  }
0x7f: {  	[tilespmem:s21], [sflag:$0x3] =	stream.indirect.gather [hbm4b:s1+s20], $0x80, s20, s20, $0xb8;
	[tilespmem:$0x1E800] =	vst v63  }
0x80: {  	_ =	swait.ge [sflag:s22], $0x4000  }
0x81: {  	[sflag:s22] =	ssyncset.done $0x0  }
0x82: {  	s0 =	simm.s32 $0x1400;
	[sflag:s22] =	ssyncadd.s32 $0xFFFFC000  }
0x83: {  	[spmem:s2] =	stream.indirect.scatter.add.f32 [tilespmem:s17], [sflag:$0x4], $0x80, s0, s20, $0xb8;
	[tilespmem:$0x1E800] =	vst v63  }
0x84: {  	_ =	swait.ge [sflag:s18], $0x4000  }
0x85: {  	[sflag:s18] =	ssyncset.done $0x0  }
0x86: {  	s0 =	simm.s32 $0x100;
	[sflag:s18] =	ssyncadd.s32 $0xFFFFC000  }
0x87: {  	[tilespmem:s17], [sflag:$0x2] =	stream.indirect.gather [hbm4b:s1+s20], $0x80, s0, s20, $0xb8;
	[tilespmem:$0x1E800] =	vst v63  }
0x88: {  	_ =	swait.ge [sflag:s23], $0x4000  }
0x89: {  	[sflag:s23] =	ssyncset.done $0x0  }
0x8a: {  	s0 =	simm.s32 $0x1480;
	[sflag:s23] =	ssyncadd.s32 $0xFFFFC000  }
0x8b: {  	[spmem:s2] =	stream.indirect.scatter.add.f32 [tilespmem:s21], [sflag:$0x4], $0x80, s0, s20, $0xb8;
	[tilespmem:$0x1E800] =	vst v63  }
0x8c: {  	_ =	swait.ge [sflag:s18], $0x4000  }
0x8d: {  	[sflag:s18] =	ssyncset.done $0x0  }
0x8e: {  	s30 =	simm.s32 $0x800;
	s31 =	simm.s32 $0x180;
	[sflag:s18] =	ssyncadd.s32 $0xFFFFC000  }
.LBB2_6:
0x8f: {  	[tilespmem:s21], [sflag:$0x3] =	stream.indirect.gather [hbm4b:s1+s20], $0x80, s31, s20, $0xb8;
	[tilespmem:$0x1E800] =	vst v63  }
0x90: {  	s0 =	smov.u32 s30  }
0x91: {  	p0 =	sne.s32 s30, $0x4C00;
	s30 =	sadd.s32 $0x400, s30;
	_ =	swait.ge [sflag:s22], $0x4000  }
0x92: {  	s0 =	sshra.s32 s0, $0x2;
	[sflag:s22] =	ssyncset.done $0x0  }
0x93: {  	s31 =	sadd.s32 $0x1300, s0;
	[sflag:s22] =	ssyncadd.s32 $0xFFFFC000  }
0x94: {  	[spmem:s2] =	stream.indirect.scatter.add.f32 [tilespmem:s17], [sflag:$0x4], $0x80, s31, s20, $0xb8;
	[tilespmem:$0x1E800] =	vst v63  }
0x95: {  	_ =	swait.ge [sflag:s18], $0x4000  }
0x96: {  	[sflag:s18] =	ssyncset.done $0x0  }
0x97: {  	[sflag:s18] =	ssyncadd.s32 $0xFFFFC000  }
0x98: {  	[tilespmem:s17], [sflag:$0x2] =	stream.indirect.gather [hbm4b:s1+s20], $0x80, s0, s20, $0xb8;
	[tilespmem:$0x1E800] =	vst v63  }
0x99: {  	_ =	swait.ge [sflag:s23], $0x4000  }
0x9a: {  	[sflag:s23] =	ssyncset.done $0x0  }
.Ltmp2:
0x9b: {  	s31 =	sadd.s32 $0x1380, s0;
	[sflag:s23] =	ssyncadd.s32 $0xFFFFC000;
	(pc) =	sbr.rel @p0 .LBB2_6-.Ltmp2, $4  }
0x9c: {  	[spmem:s2] =	stream.indirect.scatter.add.f32 [tilespmem:s21], [sflag:$0x4], $0x80, s31, s20, $0xb8;
	[tilespmem:$0x1E800] =	vst v63  }
0x9d: {  	_ =	swait.ge [sflag:s18], $0x4000  }
0x9e: {  	[sflag:s18] =	ssyncset.done $0x0  }
0x9f: {  	s31 =	sadd.s32 $0x80, s0;
	[sflag:s18] =	ssyncadd.s32 $0xFFFFC000  }
0xa0: {  	[tilespmem:s21], [sflag:$0x3] =	stream.indirect.gather [hbm4b:s1+s20], $0x80, s31, s20, $0xb8;
	[tilespmem:$0x1E800] =	vst v63  }
0xa1: {  	_ =	swait.ge [sflag:s22], $0x4000  }
0xa2: {  	[sflag:s22] =	ssyncset.done $0x0  }
0xa3: {  	[sflag:s22] =	ssyncadd.s32 $0xFFFFC000  }
0xa4: {  	[spmem:s2] =	stream.indirect.scatter.add.f32 [tilespmem:s17], [sflag:$0x4], $0x80, s24, s20, $0xb8;
	[tilespmem:$0x1E800] =	vst v63  }
0xa5: {  	_ =	swait.ge [sflag:s18], $0x4000  }
0xa6: {  	[sflag:s18] =	ssyncset.done $0x0  }
0xa7: {  	[sflag:s18] =	ssyncadd.s32 $0xFFFFC000  }
0xa8: {  	_ =	swait.ge [sflag:s23], $0x4000  }
0xa9: {  	[sflag:s23] =	ssyncset.done $0x0  }
0xaa: {  	[sflag:s23] =	ssyncadd.s32 $0xFFFFC000  }
0xab: {  	[spmem:s2] =	stream.indirect.scatter.add.f32 [tilespmem:s21], [sflag:$0x4], $0x80, s25, s20, $0xb8;
	[tilespmem:$0x1E800] =	vst v63  }
0xac: {  	_ =	swait.ge [sflag:s18], $0x4000  }
0xad: {  	s0 =	sshll.u32 s3, $0x6;
	s29 =	sadd.s32 $0x1, s29;
	[sflag:s18] =	ssyncset.done $0x0  }
0xae: {  	s30 =	sshrl.u32 s6, $0x3;
	p0 =	sne.s32 s29, s14;
	[sflag:s18] =	ssyncadd.s32 $0xFFFFC000  }
.Ltmp3:
0xaf: {  	s0 =	sor.u32 $0x1C04, s0;
	[bflag:$0x0] =	sbarrier.arrive $0xFFFF;
	(pc) =	sbr.rel @p0 .LBB2_1-.Ltmp3, $4  }
0xb0: {  	[hbm:s13], [sflag:s0] =	dma.local [spmem:s30], $0x2800  }
0xb1: {  	_ =	swait.ge [sflag:s18], $0x2800  }
0xb2: {  	[sflag:s18] =	ssyncset.done $0x0  }
0xb3: {  	[sflag:s18] =	ssyncadd.s32 $0xFFFFD800  }
0xb4: {  	_ =	sfence.sel $0x180000  }
0xb5: {  	[bflag:$0x0] =	sbarrier.arrive $0xFFFF  }
0xb6: {  	_ =	strace $0x90000047  }
0xb7: {  	[bflag:$0x2] =	sbarrier.arrive $0xFFFF  }
0xb8: {  	p0 =	sne.s32 s3, $0x0;
	s0 =	rddreg [dreg:$0x3]  }
0xb9: {  	s0 =	sadd.s32 @!p0 $0x100000, s0  }
0xba: {  	[sflag:s0] =	ssyncadd.tile.s32 @!p0 $0x1;
	_ =	shalt  }
.Lfunc_end2:
_tile_overlayer_lowered:
.L_overlay_start_2:
0xbb: {  	(tag) =	ssettag $0x2  }
0xbc: {  	s0 =	rddreg [dreg:$0x0];
	s2 =	stileid.u32  }
0xbd: {  	s1 =	rddreg [dreg:$0x1];
	p0 =	sne.s32 s2, $0x0  }
0xbe: {  	s3 =	rddreg [dreg:$0x2];
	[bflag:$0x3] =	sbarrier.arrive $0xFFFF;
	s2 =	simm.s32 @!p0 $0x1C04  }
0xbf: {  	[timem:s3], [sflag:s2] =	dma.local @!p0 [hbm:s0], s1  }
0xc0: {  	s0 =	simm.s32 @!p0 $0x4  }
0xc1: {  	_ =	swait.ge @!p0 [sflag:s0], s1  }
0xc2: {  	s1 =	ssub.s32 @!p0 $0x0, s1;
	[sflag:s0] =	ssyncset.done @!p0 $0x0  }
0xc3: {  	[sflag:s0] =	ssyncadd.s32 @!p0 s1  }
0xc4: {  	[bflag:$0x3] =	sbarrier.arrive $0xFFFF  }
0xc5: {  	_ =	shalt  }

</sc_bundles>
